<compile_context>
chip_gen: v7x
topology: tpu7x:2x2x1
jax: 0.10.2.dev20260603
libtpu: 0.0.44.dev20260713+nightly
codegen_flags: <defaults>
</compile_context>

<pallas_src>
import functools

import jax
import jax.numpy as jnp
from jax import lax
from jax.experimental import pallas as pl
from jax.experimental.pallas import tpu as pltpu
from jax.experimental.pallas import tpu_sc as plsc

_BITS = 32


def _build_sc_kernel(B, V, D, Vpad):
    info = plsc.get_sparse_core_info()
    NC, NS, L = info.num_cores, info.num_subcores, info.num_lanes
    NW = NC * NS
    assert D * _BITS == L * NW
    n_groups = B // L
    half = _BITS // 2

    mesh = plsc.VectorSubcoreMesh(core_axis_name="c", subcore_axis_name="s")

    @functools.partial(
        pl.kernel,
        mesh=mesh,
        compiler_params=pltpu.CompilerParams(needs_layout_passes=False),
        out_type=jax.ShapeDtypeStruct((D * _BITS, B), jnp.float32),
        scratch_types=[
            pltpu.VMEM((B,), jnp.int32),
            pltpu.VMEM((Vpad,), jnp.float32),
            pltpu.VMEM((L, B), jnp.float32),
            pltpu.SemaphoreType.DMA,
            pltpu.SemaphoreType.DMA,
        ],
    )
    def sc_kernel(tok_hbm, wt_hbm, out_hbm, tok_v, trow_v, out_v, sem, in_sem):
        wid = lax.axis_index("s") * NC + lax.axis_index("c")
        d = lax.shift_right_logical(wid, 1)
        kh = wid & 1
        cp_tok = pltpu.async_copy(tok_hbm, tok_v, in_sem)
        cp_row = pltpu.async_copy(wt_hbm.at[d], trow_v, in_sem)
        cp_tok.wait()
        cp_row.wait()

        sh_base = 31 - kh * half

        n_chunks = 2
        g_per_chunk = n_groups // n_chunks
        b_chunk = B // n_chunks

        copies = []
        for c in range(n_chunks):

            @plsc.parallel_loop(c * g_per_chunk, (c + 1) * g_per_chunk, unroll=8)
            def grp_body(gr):
                t = tok_v[pl.ds(gr * L, L)]
                vals = plsc.load_gather(trow_v, [t])
                bits = lax.bitcast_convert_type(vals, jnp.int32)
                for j in range(half):
                    bit = lax.shift_right_logical(bits, sh_base - j) & 1
                    out_v[j, pl.ds(gr * L, L)] = bit.astype(jnp.float32)

            copies.append(
                pltpu.async_copy(
                    out_v.at[:, pl.ds(c * b_chunk, b_chunk)],
                    out_hbm.at[pl.ds(wid * L, L), pl.ds(c * b_chunk, b_chunk)],
                    sem,
                )
            )
        for cp in copies:
            cp.wait()

    return sc_kernel


def kernel(token_ids, weight_float):
    B = token_ids.shape[0]
    V, D = weight_float.shape
    Vpad = 1024 if V <= 1024 else -(-V // 128) * 128
    tok = token_ids.astype(jnp.int32)
    w_t = jnp.pad(weight_float.T, ((0, 0), (0, Vpad - V)))
    sc = _build_sc_kernel(B, V, D, Vpad)
    out2 = sc(tok, w_t)
    return jnp.transpose(out2.reshape(D, _BITS, B), (2, 0, 1))

# --- scband reference (transcript-rebuilt; emitter-appended) ---
"""Pipeline reference for scband-spike-fp32-embedding-11450382811508 (READ-ONLY COPY).

The authoritative reference and input builder live on the scoring server;
editing this copy changes nothing except your own understanding.
"""

import jax, jax.numpy as jnp
import numpy as np
import math

VOCAB_SIZE = 1000
EMBED_DIM = 16
ADDR_BITS = math.ceil(math.log2(VOCAB_SIZE))  # 10 -> padded table size 1024


def _float_to_fp32_pulse(x):
    """float32 tensor -> IEEE-754 bit pulses, MSB first: shape [..., 32]."""
    bits = jax.lax.bitcast_convert_type(x.astype(jnp.float32), jnp.int32)
    pulses = [((bits >> i) & 1).astype(jnp.float32) for i in range(31, -1, -1)]
    return jnp.stack(pulses, axis=-1)


def setup_inputs(seed: int = 0) -> dict:
    key = jax.random.key(seed)
    k1, k2 = jax.random.split(key)
    token_ids = jax.random.randint(k1, (1024,), 0, VOCAB_SIZE)
    weight_float = jax.random.normal(k2, (VOCAB_SIZE, EMBED_DIM), dtype=jnp.float32)
    return {"token_ids": token_ids, "weight_float": weight_float}


def reference(token_ids, weight_float):
    # Pad table to 2**addr_bits rows (the MUX tree operates on a power-of-two table).
    padded_size = 2 ** ADDR_BITS
    pad_rows = padded_size - weight_float.shape[0]
    if pad_rows > 0:
        w = jnp.concatenate(
            [weight_float, jnp.zeros((pad_rows, weight_float.shape[1]), dtype=weight_float.dtype)],
            axis=0,
        )
    else:
        w = weight_float
    # Convert every row to FP32 bit pulses: [padded_size, embed_dim, 32].
    pulse_table = _float_to_fp32_pulse(w)
    # The MUX tree indexed by the MSB-first binary address of token_id is
    # mathematically an exact row gather from the pulse table.
    out_pulse = jnp.take(pulse_table, token_ids, axis=0)  # [B, embed_dim, 32]
    return out_pulse

if __name__ == "__main__":
    import jax
    _d = setup_inputs()
    print(jax.jit(kernel)(*tuple(_d.values())))

</pallas_src>

<mosaic_0001>
#map = affine_map<(d0, d1) -> (0)>
#map1 = affine_map<(d0, d1) -> (0, 0)>
module attributes {stable_mosaic.version = 14 : i64} {
  func.func @sc_kernel(%arg0: i32, %arg1: i32, %arg2: memref<1024xi32, #tpu.memory_space<hbm>>, %arg3: memref<16x1024xf32, #tpu.memory_space<hbm>>, %arg4: memref<512x1024xf32, #tpu.memory_space<hbm>>, %arg5: memref<1024xi32, #tpu.memory_space<vmem>>, %arg6: memref<1024xf32, #tpu.memory_space<vmem>>, %arg7: memref<16x1024xf32, #tpu.memory_space<vmem>>, %arg8: memref<!tpu.dma_semaphore, #tpu.memory_space<semaphore_mem>>, %arg9: memref<!tpu.dma_semaphore, #tpu.memory_space<semaphore_mem>>) attributes {dimension_semantics = [#tpu.dimension_semantics<core_parallel>, #tpu.dimension_semantics<subcore_parallel>], iteration_bounds = array<i64: 2, 16>, scalar_prefetch = 0 : i64, scratch_operands = 5 : i64, tpu.core_type = #tpu.core_type<sc_vector_subcore>, window_params = [{transform_indices = #map}, {transform_indices = #map1}, {transform_indices = #map1}]} {
    %mul3A = arith.constant 2 : i32
    %mul3A_0 = arith.muli %arg1, %mul3A : i32
    %add3A = arith.addi %mul3A_0, %arg0 : i32
    %shift_right_logical3A = arith.constant 1 : i32
    %shift_right_logical3A_1 = arith.shrui %add3A, %shift_right_logical3A : i32
    %and3A = arith.constant 1 : i32
    %and3A_2 = arith.andi %add3A, %and3A : i32
    tpu.enqueue_dma source(%arg2 : memref<1024xi32, #tpu.memory_space<hbm>>) target(%arg5 : memref<1024xi32, #tpu.memory_space<vmem>>) target_semaphore(%arg9 : memref<!tpu.dma_semaphore, #tpu.memory_space<semaphore_mem>>)
    %dma_start3A = arith.constant 0 : i32
    %dma_start3A_3 = tpu.memref_slice %arg3[%shift_right_logical3A_1, %dma_start3A] : memref<16x1024xf32, #tpu.memory_space<hbm>> -> memref<1x1024xf32, #tpu.memory_space<hbm>>
    %dma_start3A_4 = tpu.memref_squeeze %dma_start3A_3 : memref<1x1024xf32, #tpu.memory_space<hbm>> -> memref<1024xf32, #tpu.memory_space<hbm>>
    %dma_start3A_5 = arith.constant 0 : i32
    %dma_start3A_6 = tpu.memref_slice %arg3[%shift_right_logical3A_1, %dma_start3A_5] : memref<16x1024xf32, #tpu.memory_space<hbm>> -> memref<1x1024xf32, #tpu.memory_space<hbm>>
    %dma_start3A_7 = tpu.memref_squeeze %dma_start3A_6 : memref<1x1024xf32, #tpu.memory_space<hbm>> -> memref<1024xf32, #tpu.memory_space<hbm>>
    tpu.enqueue_dma source(%dma_start3A_7 : memref<1024xf32, #tpu.memory_space<hbm>>) target(%arg6 : memref<1024xf32, #tpu.memory_space<vmem>>) target_semaphore(%arg9 : memref<!tpu.dma_semaphore, #tpu.memory_space<semaphore_mem>>)
    tpu.wait_dma2 semaphore(%arg9 : memref<!tpu.dma_semaphore, #tpu.memory_space<semaphore_mem>>) src(%arg2 : memref<1024xi32, #tpu.memory_space<hbm>>) dst(%arg5 : memref<1024xi32, #tpu.memory_space<vmem>>)
    %dma_wait3A = arith.constant 0 : i32
    %dma_wait3A_8 = tpu.memref_slice %arg3[%shift_right_logical3A_1, %dma_wait3A] : memref<16x1024xf32, #tpu.memory_space<hbm>> -> memref<1x1024xf32, #tpu.memory_space<hbm>>
    %dma_wait3A_9 = tpu.memref_squeeze %dma_wait3A_8 : memref<1x1024xf32, #tpu.memory_space<hbm>> -> memref<1024xf32, #tpu.memory_space<hbm>>
    %dma_wait3A_10 = arith.constant 0 : i32
    %dma_wait3A_11 = tpu.memref_slice %arg3[%shift_right_logical3A_1, %dma_wait3A_10] : memref<16x1024xf32, #tpu.memory_space<hbm>> -> memref<1x1024xf32, #tpu.memory_space<hbm>>
    %dma_wait3A_12 = tpu.memref_squeeze %dma_wait3A_11 : memref<1x1024xf32, #tpu.memory_space<hbm>> -> memref<1024xf32, #tpu.memory_space<hbm>>
    tpu.wait_dma2 semaphore(%arg9 : memref<!tpu.dma_semaphore, #tpu.memory_space<semaphore_mem>>) src(%dma_wait3A_12 : memref<1024xf32, #tpu.memory_space<hbm>>) dst(%arg6 : memref<1024xf32, #tpu.memory_space<vmem>>)
    %mul3A_13 = arith.constant 16 : i32
    %mul3A_14 = arith.muli %and3A_2, %mul3A_13 : i32
    %sub3A = arith.constant 31 : i32
    %sub3A_15 = arith.subi %sub3A, %mul3A_14 : i32
    %parallel_loop3A = arith.constant 0 : i32
    %parallel_loop3A_16 = arith.constant 32 : i32
    %parallel_loop3A_17 = arith.constant 1 : i32
    scf.for %parallel_loop3A_65 = %parallel_loop3A to %parallel_loop3A_16 step %parallel_loop3A_17  : i32 {
      %parallel_loop3A_66 = arith.constant 16 : i32
      %parallel_loop3A_67 = arith.muli %parallel_loop3A_65, %parallel_loop3A_66 : i32
      %parallel_loop3A_68 = arith.index_cast %parallel_loop3A_67 : i32 to index
      %parallel_loop3A_69 = tpu.vector_load %arg5[%parallel_loop3A_68] {strides = array<i32>} : memref<1024xi32, #tpu.memory_space<vmem>>, vector<16xi32>,
      %parallel_loop3A_70 = tpu.vector_load_idx %arg6[%parallel_loop3A_69] : memref<1024xf32, #tpu.memory_space<vmem>>[vector<16xi32>], vector<16xf32>,
      %parallel_loop3A_71 = tpu.bitcast %parallel_loop3A_70 : vector<16xf32> -> vector<16xi32>
      %parallel_loop3A_72 = arith.constant 0 : i32
      %parallel_loop3A_73 = arith.subi %sub3A_15, %parallel_loop3A_72 : i32
      %parallel_loop3A_74 = vector.broadcast %parallel_loop3A_73 : i32 to vector<16xi32>
      %parallel_loop3A_75 = arith.shrui %parallel_loop3A_71, %parallel_loop3A_74 : vector<16xi32>
      %parallel_loop3A_76 = arith.constant 1 : i32
      %parallel_loop3A_77 = vector.broadcast %parallel_loop3A_76 : i32 to vector<16xi32>
      %parallel_loop3A_78 = arith.andi %parallel_loop3A_75, %parallel_loop3A_77 : vector<16xi32>
      %parallel_loop3A_79 = arith.sitofp %parallel_loop3A_78 : vector<16xi32> to vector<16xf32>
      %parallel_loop3A_80 = arith.constant 16 : i32
      %parallel_loop3A_81 = arith.muli %parallel_loop3A_65, %parallel_loop3A_80 : i32
      %parallel_loop3A_82 = arith.constant 0 : i32
      %parallel_loop3A_83 = arith.index_cast %parallel_loop3A_82 : i32 to index
      %parallel_loop3A_84 = arith.index_cast %parallel_loop3A_81 : i32 to index
      %parallel_loop3A_85 = tpu.vector_load %arg7[%parallel_loop3A_83, %parallel_loop3A_84] {strides = array<i32>} : memref<16x1024xf32, #tpu.memory_space<vmem>>, vector<16xf32>,
      tpu.vector_store %arg7[%parallel_loop3A_83, %parallel_loop3A_84], %parallel_loop3A_79 {strides = array<i32>} : memref<16x1024xf32, #tpu.memory_space<vmem>>, vector<16xf32>,
      %parallel_loop3A_86 = arith.constant 1 : i32
      %parallel_loop3A_87 = arith.subi %sub3A_15, %parallel_loop3A_86 : i32
      %parallel_loop3A_88 = vector.broadcast %parallel_loop3A_87 : i32 to vector<16xi32>
      %parallel_loop3A_89 = arith.shrui %parallel_loop3A_71, %parallel_loop3A_88 : vector<16xi32>
      %parallel_loop3A_90 = arith.constant 1 : i32
      %parallel_loop3A_91 = vector.broadcast %parallel_loop3A_90 : i32 to vector<16xi32>
      %parallel_loop3A_92 = arith.andi %parallel_loop3A_89, %parallel_loop3A_91 : vector<16xi32>
      %parallel_loop3A_93 = arith.sitofp %parallel_loop3A_92 : vector<16xi32> to vector<16xf32>
      %parallel_loop3A_94 = arith.constant 16 : i32
      %parallel_loop3A_95 = arith.muli %parallel_loop3A_65, %parallel_loop3A_94 : i32
      %parallel_loop3A_96 = arith.constant 1 : i32
      %parallel_loop3A_97 = arith.index_cast %parallel_loop3A_96 : i32 to index
      %parallel_loop3A_98 = arith.index_cast %parallel_loop3A_95 : i32 to index
      %parallel_loop3A_99 = tpu.vector_load %arg7[%parallel_loop3A_97, %parallel_loop3A_98] {strides = array<i32>} : memref<16x1024xf32, #tpu.memory_space<vmem>>, vector<16xf32>,
      tpu.vector_store %arg7[%parallel_loop3A_97, %parallel_loop3A_98], %parallel_loop3A_93 {strides = array<i32>} : memref<16x1024xf32, #tpu.memory_space<vmem>>, vector<16xf32>,
      %parallel_loop3A_100 = arith.constant 2 : i32
      %parallel_loop3A_101 = arith.subi %sub3A_15, %parallel_loop3A_100 : i32
      %parallel_loop3A_102 = vector.broadcast %parallel_loop3A_101 : i32 to vector<16xi32>
      %parallel_loop3A_103 = arith.shrui %parallel_loop3A_71, %parallel_loop3A_102 : vector<16xi32>
      %parallel_loop3A_104 = arith.constant 1 : i32
      %parallel_loop3A_105 = vector.broadcast %parallel_loop3A_104 : i32 to vector<16xi32>
      %parallel_loop3A_106 = arith.andi %parallel_loop3A_103, %parallel_loop3A_105 : vector<16xi32>
      %parallel_loop3A_107 = arith.sitofp %parallel_loop3A_106 : vector<16xi32> to vector<16xf32>
      %parallel_loop3A_108 = arith.constant 16 : i32
      %parallel_loop3A_109 = arith.muli %parallel_loop3A_65, %parallel_loop3A_108 : i32
      %parallel_loop3A_110 = arith.constant 2 : i32
      %parallel_loop3A_111 = arith.index_cast %parallel_loop3A_110 : i32 to index
      %parallel_loop3A_112 = arith.index_cast %parallel_loop3A_109 : i32 to index
      %parallel_loop3A_113 = tpu.vector_load %arg7[%parallel_loop3A_111, %parallel_loop3A_112] {strides = array<i32>} : memref<16x1024xf32, #tpu.memory_space<vmem>>, vector<16xf32>,
      tpu.vector_store %arg7[%parallel_loop3A_111, %parallel_loop3A_112], %parallel_loop3A_107 {strides = array<i32>} : memref<16x1024xf32, #tpu.memory_space<vmem>>, vector<16xf32>,
      %parallel_loop3A_114 = arith.constant 3 : i32
      %parallel_loop3A_115 = arith.subi %sub3A_15, %parallel_loop3A_114 : i32
      %parallel_loop3A_116 = vector.broadcast %parallel_loop3A_115 : i32 to vector<16xi32>
      %parallel_loop3A_117 = arith.shrui %parallel_loop3A_71, %parallel_loop3A_116 : vector<16xi32>
      %parallel_loop3A_118 = arith.constant 1 : i32
      %parallel_loop3A_119 = vector.broadcast %parallel_loop3A_118 : i32 to vector<16xi32>
      %parallel_loop3A_120 = arith.andi %parallel_loop3A_117, %parallel_loop3A_119 : vector<16xi32>
      %parallel_loop3A_121 = arith.sitofp %parallel_loop3A_120 : vector<16xi32> to vector<16xf32>
      %parallel_loop3A_122 = arith.constant 16 : i32
      %parallel_loop3A_123 = arith.muli %parallel_loop3A_65, %parallel_loop3A_122 : i32
      %parallel_loop3A_124 = arith.constant 3 : i32
      %parallel_loop3A_125 = arith.index_cast %parallel_loop3A_124 : i32 to index
      %parallel_loop3A_126 = arith.index_cast %parallel_loop3A_123 : i32 to index
      %parallel_loop3A_127 = tpu.vector_load %arg7[%parallel_loop3A_125, %parallel_loop3A_126] {strides = array<i32>} : memref<16x1024xf32, #tpu.memory_space<vmem>>, vector<16xf32>,
      tpu.vector_store %arg7[%parallel_loop3A_125, %parallel_loop3A_126], %parallel_loop3A_121 {strides = array<i32>} : memref<16x1024xf32, #tpu.memory_space<vmem>>, vector<16xf32>,
      %parallel_loop3A_128 = arith.constant 4 : i32
      %parallel_loop3A_129 = arith.subi %sub3A_15, %parallel_loop3A_128 : i32
      %parallel_loop3A_130 = vector.broadcast %parallel_loop3A_129 : i32 to vector<16xi32>
      %parallel_loop3A_131 = arith.shrui %parallel_loop3A_71, %parallel_loop3A_130 : vector<16xi32>
      %parallel_loop3A_132 = arith.constant 1 : i32
      %parallel_loop3A_133 = vector.broadcast %parallel_loop3A_132 : i32 to vector<16xi32>
      %parallel_loop3A_134 = arith.andi %parallel_loop3A_131, %parallel_loop3A_133 : vector<16xi32>
      %parallel_loop3A_135 = arith.sitofp %parallel_loop3A_134 : vector<16xi32> to vector<16xf32>
      %parallel_loop3A_136 = arith.constant 16 : i32
      %parallel_loop3A_137 = arith.muli %parallel_loop3A_65, %parallel_loop3A_136 : i32
      %parallel_loop3A_138 = arith.constant 4 : i32
      %parallel_loop3A_139 = arith.index_cast %parallel_loop3A_138 : i32 to index
      %parallel_loop3A_140 = arith.index_cast %parallel_loop3A_137 : i32 to index
      %parallel_loop3A_141 = tpu.vector_load %arg7[%parallel_loop3A_139, %parallel_loop3A_140] {strides = array<i32>} : memref<16x1024xf32, #tpu.memory_space<vmem>>, vector<16xf32>,
      tpu.vector_store %arg7[%parallel_loop3A_139, %parallel_loop3A_140], %parallel_loop3A_135 {strides = array<i32>} : memref<16x1024xf32, #tpu.memory_space<vmem>>, vector<16xf32>,
      %parallel_loop3A_142 = arith.constant 5 : i32
      %parallel_loop3A_143 = arith.subi %sub3A_15, %parallel_loop3A_142 : i32
      %parallel_loop3A_144 = vector.broadcast %parallel_loop3A_143 : i32 to vector<16xi32>
      %parallel_loop3A_145 = arith.shrui %parallel_loop3A_71, %parallel_loop3A_144 : vector<16xi32>
      %parallel_loop3A_146 = arith.constant 1 : i32
      %parallel_loop3A_147 = vector.broadcast %parallel_loop3A_146 : i32 to vector<16xi32>
      %parallel_loop3A_148 = arith.andi %parallel_loop3A_145, %parallel_loop3A_147 : vector<16xi32>
      %parallel_loop3A_149 = arith.sitofp %parallel_loop3A_148 : vector<16xi32> to vector<16xf32>
      %parallel_loop3A_150 = arith.constant 16 : i32
      %parallel_loop3A_151 = arith.muli %parallel_loop3A_65, %parallel_loop3A_150 : i32
      %parallel_loop3A_152 = arith.constant 5 : i32
      %parallel_loop3A_153 = arith.index_cast %parallel_loop3A_152 : i32 to index
      %parallel_loop3A_154 = arith.index_cast %parallel_loop3A_151 : i32 to index
      %parallel_loop3A_155 = tpu.vector_load %arg7[%parallel_loop3A_153, %parallel_loop3A_154] {strides = array<i32>} : memref<16x1024xf32, #tpu.memory_space<vmem>>, vector<16xf32>,
      tpu.vector_store %arg7[%parallel_loop3A_153, %parallel_loop3A_154], %parallel_loop3A_149 {strides = array<i32>} : memref<16x1024xf32, #tpu.memory_space<vmem>>, vector<16xf32>,
      %parallel_loop3A_156 = arith.constant 6 : i32
      %parallel_loop3A_157 = arith.subi %sub3A_15, %parallel_loop3A_156 : i32
      %parallel_loop3A_158 = vector.broadcast %parallel_loop3A_157 : i32 to vector<16xi32>
      %parallel_loop3A_159 = arith.shrui %parallel_loop3A_71, %parallel_loop3A_158 : vector<16xi32>
      %parallel_loop3A_160 = arith.constant 1 : i32
      %parallel_loop3A_161 = vector.broadcast %parallel_loop3A_160 : i32 to vector<16xi32>
      %parallel_loop3A_162 = arith.andi %parallel_loop3A_159, %parallel_loop3A_161 : vector<16xi32>
      %parallel_loop3A_163 = arith.sitofp %parallel_loop3A_162 : vector<16xi32> to vector<16xf32>
      %parallel_loop3A_164 = arith.constant 16 : i32
      %parallel_loop3A_165 = arith.muli %parallel_loop3A_65, %parallel_loop3A_164 : i32
      %parallel_loop3A_166 = arith.constant 6 : i32
      %parallel_loop3A_167 = arith.index_cast %parallel_loop3A_166 : i32 to index
      %parallel_loop3A_168 = arith.index_cast %parallel_loop3A_165 : i32 to index
      %parallel_loop3A_169 = tpu.vector_load %arg7[%parallel_loop3A_167, %parallel_loop3A_168] {strides = array<i32>} : memref<16x1024xf32, #tpu.memory_space<vmem>>, vector<16xf32>,
      tpu.vector_store %arg7[%parallel_loop3A_167, %parallel_loop3A_168], %parallel_loop3A_163 {strides = array<i32>} : memref<16x1024xf32, #tpu.memory_space<vmem>>, vector<16xf32>,
      %parallel_loop3A_170 = arith.constant 7 : i32
      %parallel_loop3A_171 = arith.subi %sub3A_15, %parallel_loop3A_170 : i32
      %parallel_loop3A_172 = vector.broadcast %parallel_loop3A_171 : i32 to vector<16xi32>
      %parallel_loop3A_173 = arith.shrui %parallel_loop3A_71, %parallel_loop3A_172 : vector<16xi32>
      %parallel_loop3A_174 = arith.constant 1 : i32
      %parallel_loop3A_175 = vector.broadcast %parallel_loop3A_174 : i32 to vector<16xi32>
      %parallel_loop3A_176 = arith.andi %parallel_loop3A_173, %parallel_loop3A_175 : vector<16xi32>
      %parallel_loop3A_177 = arith.sitofp %parallel_loop3A_176 : vector<16xi32> to vector<16xf32>
      %parallel_loop3A_178 = arith.constant 16 : i32
      %parallel_loop3A_179 = arith.muli %parallel_loop3A_65, %parallel_loop3A_178 : i32
      %parallel_loop3A_180 = arith.constant 7 : i32
      %parallel_loop3A_181 = arith.index_cast %parallel_loop3A_180 : i32 to index
      %parallel_loop3A_182 = arith.index_cast %parallel_loop3A_179 : i32 to index
      %parallel_loop3A_183 = tpu.vector_load %arg7[%parallel_loop3A_181, %parallel_loop3A_182] {strides = array<i32>} : memref<16x1024xf32, #tpu.memory_space<vmem>>, vector<16xf32>,
      tpu.vector_store %arg7[%parallel_loop3A_181, %parallel_loop3A_182], %parallel_loop3A_177 {strides = array<i32>} : memref<16x1024xf32, #tpu.memory_space<vmem>>, vector<16xf32>,
      %parallel_loop3A_184 = arith.constant 8 : i32
      %parallel_loop3A_185 = arith.subi %sub3A_15, %parallel_loop3A_184 : i32
      %parallel_loop3A_186 = vector.broadcast %parallel_loop3A_185 : i32 to vector<16xi32>
      %parallel_loop3A_187 = arith.shrui %parallel_loop3A_71, %parallel_loop3A_186 : vector<16xi32>
      %parallel_loop3A_188 = arith.constant 1 : i32
      %parallel_loop3A_189 = vector.broadcast %parallel_loop3A_188 : i32 to vector<16xi32>
      %parallel_loop3A_190 = arith.andi %parallel_loop3A_187, %parallel_loop3A_189 : vector<16xi32>
      %parallel_loop3A_191 = arith.sitofp %parallel_loop3A_190 : vector<16xi32> to vector<16xf32>
      %parallel_loop3A_192 = arith.constant 16 : i32
      %parallel_loop3A_193 = arith.muli %parallel_loop3A_65, %parallel_loop3A_192 : i32
      %parallel_loop3A_194 = arith.constant 8 : i32
      %parallel_loop3A_195 = arith.index_cast %parallel_loop3A_194 : i32 to index
      %parallel_loop3A_196 = arith.index_cast %parallel_loop3A_193 : i32 to index
      %parallel_loop3A_197 = tpu.vector_load %arg7[%parallel_loop3A_195, %parallel_loop3A_196] {strides = array<i32>} : memref<16x1024xf32, #tpu.memory_space<vmem>>, vector<16xf32>,
      tpu.vector_store %arg7[%parallel_loop3A_195, %parallel_loop3A_196], %parallel_loop3A_191 {strides = array<i32>} : memref<16x1024xf32, #tpu.memory_space<vmem>>, vector<16xf32>,
      %parallel_loop3A_198 = arith.constant 9 : i32
      %parallel_loop3A_199 = arith.subi %sub3A_15, %parallel_loop3A_198 : i32
      %parallel_loop3A_200 = vector.broadcast %parallel_loop3A_199 : i32 to vector<16xi32>
      %parallel_loop3A_201 = arith.shrui %parallel_loop3A_71, %parallel_loop3A_200 : vector<16xi32>
      %parallel_loop3A_202 = arith.constant 1 : i32
      %parallel_loop3A_203 = vector.broadcast %parallel_loop3A_202 : i32 to vector<16xi32>
      %parallel_loop3A_204 = arith.andi %parallel_loop3A_201, %parallel_loop3A_203 : vector<16xi32>
      %parallel_loop3A_205 = arith.sitofp %parallel_loop3A_204 : vector<16xi32> to vector<16xf32>
      %parallel_loop3A_206 = arith.constant 16 : i32
      %parallel_loop3A_207 = arith.muli %parallel_loop3A_65, %parallel_loop3A_206 : i32
      %parallel_loop3A_208 = arith.constant 9 : i32
      %parallel_loop3A_209 = arith.index_cast %parallel_loop3A_208 : i32 to index
      %parallel_loop3A_210 = arith.index_cast %parallel_loop3A_207 : i32 to index
      %parallel_loop3A_211 = tpu.vector_load %arg7[%parallel_loop3A_209, %parallel_loop3A_210] {strides = array<i32>} : memref<16x1024xf32, #tpu.memory_space<vmem>>, vector<16xf32>,
      tpu.vector_store %arg7[%parallel_loop3A_209, %parallel_loop3A_210], %parallel_loop3A_205 {strides = array<i32>} : memref<16x1024xf32, #tpu.memory_space<vmem>>, vector<16xf32>,
      %parallel_loop3A_212 = arith.constant 10 : i32
      %parallel_loop3A_213 = arith.subi %sub3A_15, %parallel_loop3A_212 : i32
      %parallel_loop3A_214 = vector.broadcast %parallel_loop3A_213 : i32 to vector<16xi32>
      %parallel_loop3A_215 = arith.shrui %parallel_loop3A_71, %parallel_loop3A_214 : vector<16xi32>
      %parallel_loop3A_216 = arith.constant 1 : i32
      %parallel_loop3A_217 = vector.broadcast %parallel_loop3A_216 : i32 to vector<16xi32>
      %parallel_loop3A_218 = arith.andi %parallel_loop3A_215, %parallel_loop3A_217 : vector<16xi32>
      %parallel_loop3A_219 = arith.sitofp %parallel_loop3A_218 : vector<16xi32> to vector<16xf32>
      %parallel_loop3A_220 = arith.constant 16 : i32
      %parallel_loop3A_221 = arith.muli %parallel_loop3A_65, %parallel_loop3A_220 : i32
      %parallel_loop3A_222 = arith.constant 10 : i32
      %parallel_loop3A_223 = arith.index_cast %parallel_loop3A_222 : i32 to index
      %parallel_loop3A_224 = arith.index_cast %parallel_loop3A_221 : i32 to index
      %parallel_loop3A_225 = tpu.vector_load %arg7[%parallel_loop3A_223, %parallel_loop3A_224] {strides = array<i32>} : memref<16x1024xf32, #tpu.memory_space<vmem>>, vector<16xf32>,
      tpu.vector_store %arg7[%parallel_loop3A_223, %parallel_loop3A_224], %parallel_loop3A_219 {strides = array<i32>} : memref<16x1024xf32, #tpu.memory_space<vmem>>, vector<16xf32>,
      %parallel_loop3A_226 = arith.constant 11 : i32
      %parallel_loop3A_227 = arith.subi %sub3A_15, %parallel_loop3A_226 : i32
      %parallel_loop3A_228 = vector.broadcast %parallel_loop3A_227 : i32 to vector<16xi32>
      %parallel_loop3A_229 = arith.shrui %parallel_loop3A_71, %parallel_loop3A_228 : vector<16xi32>
      %parallel_loop3A_230 = arith.constant 1 : i32
      %parallel_loop3A_231 = vector.broadcast %parallel_loop3A_230 : i32 to vector<16xi32>
      %parallel_loop3A_232 = arith.andi %parallel_loop3A_229, %parallel_loop3A_231 : vector<16xi32>
      %parallel_loop3A_233 = arith.sitofp %parallel_loop3A_232 : vector<16xi32> to vector<16xf32>
      %parallel_loop3A_234 = arith.constant 16 : i32
      %parallel_loop3A_235 = arith.muli %parallel_loop3A_65, %parallel_loop3A_234 : i32
      %parallel_loop3A_236 = arith.constant 11 : i32
      %parallel_loop3A_237 = arith.index_cast %parallel_loop3A_236 : i32 to index
      %parallel_loop3A_238 = arith.index_cast %parallel_loop3A_235 : i32 to index
      %parallel_loop3A_239 = tpu.vector_load %arg7[%parallel_loop3A_237, %parallel_loop3A_238] {strides = array<i32>} : memref<16x1024xf32, #tpu.memory_space<vmem>>, vector<16xf32>,
      tpu.vector_store %arg7[%parallel_loop3A_237, %parallel_loop3A_238], %parallel_loop3A_233 {strides = array<i32>} : memref<16x1024xf32, #tpu.memory_space<vmem>>, vector<16xf32>,
      %parallel_loop3A_240 = arith.constant 12 : i32
      %parallel_loop3A_241 = arith.subi %sub3A_15, %parallel_loop3A_240 : i32
      %parallel_loop3A_242 = vector.broadcast %parallel_loop3A_241 : i32 to vector<16xi32>
      %parallel_loop3A_243 = arith.shrui %parallel_loop3A_71, %parallel_loop3A_242 : vector<16xi32>
      %parallel_loop3A_244 = arith.constant 1 : i32
      %parallel_loop3A_245 = vector.broadcast %parallel_loop3A_244 : i32 to vector<16xi32>
      %parallel_loop3A_246 = arith.andi %parallel_loop3A_243, %parallel_loop3A_245 : vector<16xi32>
      %parallel_loop3A_247 = arith.sitofp %parallel_loop3A_246 : vector<16xi32> to vector<16xf32>
      %parallel_loop3A_248 = arith.constant 16 : i32
      %parallel_loop3A_249 = arith.muli %parallel_loop3A_65, %parallel_loop3A_248 : i32
      %parallel_loop3A_250 = arith.constant 12 : i32
      %parallel_loop3A_251 = arith.index_cast %parallel_loop3A_250 : i32 to index
      %parallel_loop3A_252 = arith.index_cast %parallel_loop3A_249 : i32 to index
      %parallel_loop3A_253 = tpu.vector_load %arg7[%parallel_loop3A_251, %parallel_loop3A_252] {strides = array<i32>} : memref<16x1024xf32, #tpu.memory_space<vmem>>, vector<16xf32>,
      tpu.vector_store %arg7[%parallel_loop3A_251, %parallel_loop3A_252], %parallel_loop3A_247 {strides = array<i32>} : memref<16x1024xf32, #tpu.memory_space<vmem>>, vector<16xf32>,
      %parallel_loop3A_254 = arith.constant 13 : i32
      %parallel_loop3A_255 = arith.subi %sub3A_15, %parallel_loop3A_254 : i32
      %parallel_loop3A_256 = vector.broadcast %parallel_loop3A_255 : i32 to vector<16xi32>
      %parallel_loop3A_257 = arith.shrui %parallel_loop3A_71, %parallel_loop3A_256 : vector<16xi32>
      %parallel_loop3A_258 = arith.constant 1 : i32
      %parallel_loop3A_259 = vector.broadcast %parallel_loop3A_258 : i32 to vector<16xi32>
      %parallel_loop3A_260 = arith.andi %parallel_loop3A_257, %parallel_loop3A_259 : vector<16xi32>
      %parallel_loop3A_261 = arith.sitofp %parallel_loop3A_260 : vector<16xi32> to vector<16xf32>
      %parallel_loop3A_262 = arith.constant 16 : i32
      %parallel_loop3A_263 = arith.muli %parallel_loop3A_65, %parallel_loop3A_262 : i32
      %parallel_loop3A_264 = arith.constant 13 : i32
      %parallel_loop3A_265 = arith.index_cast %parallel_loop3A_264 : i32 to index
      %parallel_loop3A_266 = arith.index_cast %parallel_loop3A_263 : i32 to index
      %parallel_loop3A_267 = tpu.vector_load %arg7[%parallel_loop3A_265, %parallel_loop3A_266] {strides = array<i32>} : memref<16x1024xf32, #tpu.memory_space<vmem>>, vector<16xf32>,
      tpu.vector_store %arg7[%parallel_loop3A_265, %parallel_loop3A_266], %parallel_loop3A_261 {strides = array<i32>} : memref<16x1024xf32, #tpu.memory_space<vmem>>, vector<16xf32>,
      %parallel_loop3A_268 = arith.constant 14 : i32
      %parallel_loop3A_269 = arith.subi %sub3A_15, %parallel_loop3A_268 : i32
      %parallel_loop3A_270 = vector.broadcast %parallel_loop3A_269 : i32 to vector<16xi32>
      %parallel_loop3A_271 = arith.shrui %parallel_loop3A_71, %parallel_loop3A_270 : vector<16xi32>
      %parallel_loop3A_272 = arith.constant 1 : i32
      %parallel_loop3A_273 = vector.broadcast %parallel_loop3A_272 : i32 to vector<16xi32>
      %parallel_loop3A_274 = arith.andi %parallel_loop3A_271, %parallel_loop3A_273 : vector<16xi32>
      %parallel_loop3A_275 = arith.sitofp %parallel_loop3A_274 : vector<16xi32> to vector<16xf32>
      %parallel_loop3A_276 = arith.constant 16 : i32
      %parallel_loop3A_277 = arith.muli %parallel_loop3A_65, %parallel_loop3A_276 : i32
      %parallel_loop3A_278 = arith.constant 14 : i32
      %parallel_loop3A_279 = arith.index_cast %parallel_loop3A_278 : i32 to index
      %parallel_loop3A_280 = arith.index_cast %parallel_loop3A_277 : i32 to index
      %parallel_loop3A_281 = tpu.vector_load %arg7[%parallel_loop3A_279, %parallel_loop3A_280] {strides = array<i32>} : memref<16x1024xf32, #tpu.memory_space<vmem>>, vector<16xf32>,
      tpu.vector_store %arg7[%parallel_loop3A_279, %parallel_loop3A_280], %parallel_loop3A_275 {strides = array<i32>} : memref<16x1024xf32, #tpu.memory_space<vmem>>, vector<16xf32>,
      %parallel_loop3A_282 = arith.constant 15 : i32
      %parallel_loop3A_283 = arith.subi %sub3A_15, %parallel_loop3A_282 : i32
      %parallel_loop3A_284 = vector.broadcast %parallel_loop3A_283 : i32 to vector<16xi32>
      %parallel_loop3A_285 = arith.shrui %parallel_loop3A_71, %parallel_loop3A_284 : vector<16xi32>
      %parallel_loop3A_286 = arith.constant 1 : i32
      %parallel_loop3A_287 = vector.broadcast %parallel_loop3A_286 : i32 to vector<16xi32>
      %parallel_loop3A_288 = arith.andi %parallel_loop3A_285, %parallel_loop3A_287 : vector<16xi32>
      %parallel_loop3A_289 = arith.sitofp %parallel_loop3A_288 : vector<16xi32> to vector<16xf32>
      %parallel_loop3A_290 = arith.constant 16 : i32
      %parallel_loop3A_291 = arith.muli %parallel_loop3A_65, %parallel_loop3A_290 : i32
      %parallel_loop3A_292 = arith.constant 15 : i32
      %parallel_loop3A_293 = arith.index_cast %parallel_loop3A_292 : i32 to index
      %parallel_loop3A_294 = arith.index_cast %parallel_loop3A_291 : i32 to index
      %parallel_loop3A_295 = tpu.vector_load %arg7[%parallel_loop3A_293, %parallel_loop3A_294] {strides = array<i32>} : memref<16x1024xf32, #tpu.memory_space<vmem>>, vector<16xf32>,
      tpu.vector_store %arg7[%parallel_loop3A_293, %parallel_loop3A_294], %parallel_loop3A_289 {strides = array<i32>} : memref<16x1024xf32, #tpu.memory_space<vmem>>, vector<16xf32>,
    } {sc.loop_unroll_factor = 8 : i64, sc.parallel_access}
    %mul3A_18 = arith.constant 16 : i32
    %mul3A_19 = arith.muli %add3A, %mul3A_18 : i32
    %dma_start3A_20 = arith.constant 0 : i32
    %dma_start3A_21 = arith.constant 0 : i32
    %dma_start3A_22 = tpu.memref_slice %arg7[%dma_start3A_20, %dma_start3A_21] : memref<16x1024xf32, #tpu.memory_space<vmem>> -> memref<16x512xf32, #tpu.memory_space<vmem>>
    %dma_start3A_23 = arith.constant 0 : i32
    %dma_start3A_24 = tpu.memref_slice %arg4[%mul3A_19, %dma_start3A_23] : memref<512x1024xf32, #tpu.memory_space<hbm>> -> memref<16x512xf32, #tpu.memory_space<hbm>>
    %dma_start3A_25 = arith.constant 0 : i32
    %dma_start3A_26 = tpu.memref_slice %arg4[%mul3A_19, %dma_start3A_25] : memref<512x1024xf32, #tpu.memory_space<hbm>> -> memref<16x512xf32, #tpu.memory_space<hbm>>
    %dma_start3A_27 = arith.constant 0 : i32
    %dma_start3A_28 = arith.constant 0 : i32
    %dma_start3A_29 = tpu.memref_slice %arg7[%dma_start3A_27, %dma_start3A_28] : memref<16x1024xf32, #tpu.memory_space<vmem>> -> memref<16x512xf32, #tpu.memory_space<vmem>>
    tpu.enqueue_dma source(%dma_start3A_29 : memref<16x512xf32, #tpu.memory_space<vmem>>) target(%dma_start3A_26 : memref<16x512xf32, #tpu.memory_space<hbm>>) target_semaphore(%arg8 : memref<!tpu.dma_semaphore, #tpu.memory_space<semaphore_mem>>)
    %parallel_loop3A_30 = arith.constant 32 : i32
    %parallel_loop3A_31 = arith.constant 64 : i32
    %parallel_loop3A_32 = arith.constant 1 : i32
    scf.for %parallel_loop3A_65 = %parallel_loop3A_30 to %parallel_loop3A_31 step %parallel_loop3A_32  : i32 {
      %parallel_loop3A_66 = arith.constant 16 : i32
      %parallel_loop3A_67 = arith.muli %parallel_loop3A_65, %parallel_loop3A_66 : i32
      %parallel_loop3A_68 = arith.index_cast %parallel_loop3A_67 : i32 to index
      %parallel_loop3A_69 = tpu.vector_load %arg5[%parallel_loop3A_68] {strides = array<i32>} : memref<1024xi32, #tpu.memory_space<vmem>>, vector<16xi32>,
      %parallel_loop3A_70 = tpu.vector_load_idx %arg6[%parallel_loop3A_69] : memref<1024xf32, #tpu.memory_space<vmem>>[vector<16xi32>], vector<16xf32>,
      %parallel_loop3A_71 = tpu.bitcast %parallel_loop3A_70 : vector<16xf32> -> vector<16xi32>
      %parallel_loop3A_72 = arith.constant 0 : i32
      %parallel_loop3A_73 = arith.subi %sub3A_15, %parallel_loop3A_72 : i32
      %parallel_loop3A_74 = vector.broadcast %parallel_loop3A_73 : i32 to vector<16xi32>
      %parallel_loop3A_75 = arith.shrui %parallel_loop3A_71, %parallel_loop3A_74 : vector<16xi32>
      %parallel_loop3A_76 = arith.constant 1 : i32
      %parallel_loop3A_77 = vector.broadcast %parallel_loop3A_76 : i32 to vector<16xi32>
      %parallel_loop3A_78 = arith.andi %parallel_loop3A_75, %parallel_loop3A_77 : vector<16xi32>
      %parallel_loop3A_79 = arith.sitofp %parallel_loop3A_78 : vector<16xi32> to vector<16xf32>
      %parallel_loop3A_80 = arith.constant 16 : i32
      %parallel_loop3A_81 = arith.muli %parallel_loop3A_65, %parallel_loop3A_80 : i32
      %parallel_loop3A_82 = arith.constant 0 : i32
      %parallel_loop3A_83 = arith.index_cast %parallel_loop3A_82 : i32 to index
      %parallel_loop3A_84 = arith.index_cast %parallel_loop3A_81 : i32 to index
      %parallel_loop3A_85 = tpu.vector_load %arg7[%parallel_loop3A_83, %parallel_loop3A_84] {strides = array<i32>} : memref<16x1024xf32, #tpu.memory_space<vmem>>, vector<16xf32>,
      tpu.vector_store %arg7[%parallel_loop3A_83, %parallel_loop3A_84], %parallel_loop3A_79 {strides = array<i32>} : memref<16x1024xf32, #tpu.memory_space<vmem>>, vector<16xf32>,
      %parallel_loop3A_86 = arith.constant 1 : i32
      %parallel_loop3A_87 = arith.subi %sub3A_15, %parallel_loop3A_86 : i32
      %parallel_loop3A_88 = vector.broadcast %parallel_loop3A_87 : i32 to vector<16xi32>
      %parallel_loop3A_89 = arith.shrui %parallel_loop3A_71, %parallel_loop3A_88 : vector<16xi32>
      %parallel_loop3A_90 = arith.constant 1 : i32
      %parallel_loop3A_91 = vector.broadcast %parallel_loop3A_90 : i32 to vector<16xi32>
      %parallel_loop3A_92 = arith.andi %parallel_loop3A_89, %parallel_loop3A_91 : vector<16xi32>
      %parallel_loop3A_93 = arith.sitofp %parallel_loop3A_92 : vector<16xi32> to vector<16xf32>
      %parallel_loop3A_94 = arith.constant 16 : i32
      %parallel_loop3A_95 = arith.muli %parallel_loop3A_65, %parallel_loop3A_94 : i32
      %parallel_loop3A_96 = arith.constant 1 : i32
      %parallel_loop3A_97 = arith.index_cast %parallel_loop3A_96 : i32 to index
      %parallel_loop3A_98 = arith.index_cast %parallel_loop3A_95 : i32 to index
      %parallel_loop3A_99 = tpu.vector_load %arg7[%parallel_loop3A_97, %parallel_loop3A_98] {strides = array<i32>} : memref<16x1024xf32, #tpu.memory_space<vmem>>, vector<16xf32>,
      tpu.vector_store %arg7[%parallel_loop3A_97, %parallel_loop3A_98], %parallel_loop3A_93 {strides = array<i32>} : memref<16x1024xf32, #tpu.memory_space<vmem>>, vector<16xf32>,
      %parallel_loop3A_100 = arith.constant 2 : i32
      %parallel_loop3A_101 = arith.subi %sub3A_15, %parallel_loop3A_100 : i32
      %parallel_loop3A_102 = vector.broadcast %parallel_loop3A_101 : i32 to vector<16xi32>
      %parallel_loop3A_103 = arith.shrui %parallel_loop3A_71, %parallel_loop3A_102 : vector<16xi32>
      %parallel_loop3A_104 = arith.constant 1 : i32
      %parallel_loop3A_105 = vector.broadcast %parallel_loop3A_104 : i32 to vector<16xi32>
      %parallel_loop3A_106 = arith.andi %parallel_loop3A_103, %parallel_loop3A_105 : vector<16xi32>
      %parallel_loop3A_107 = arith.sitofp %parallel_loop3A_106 : vector<16xi32> to vector<16xf32>
      %parallel_loop3A_108 = arith.constant 16 : i32
      %parallel_loop3A_109 = arith.muli %parallel_loop3A_65, %parallel_loop3A_108 : i32
      %parallel_loop3A_110 = arith.constant 2 : i32
      %parallel_loop3A_111 = arith.index_cast %parallel_loop3A_110 : i32 to index
      %parallel_loop3A_112 = arith.index_cast %parallel_loop3A_109 : i32 to index
      %parallel_loop3A_113 = tpu.vector_load %arg7[%parallel_loop3A_111, %parallel_loop3A_112] {strides = array<i32>} : memref<16x1024xf32, #tpu.memory_space<vmem>>, vector<16xf32>,
      tpu.vector_store %arg7[%parallel_loop3A_111, %parallel_loop3A_112], %parallel_loop3A_107 {strides = array<i32>} : memref<16x1024xf32, #tpu.memory_space<vmem>>, vector<16xf32>,
      %parallel_loop3A_114 = arith.constant 3 : i32
      %parallel_loop3A_115 = arith.subi %sub3A_15, %parallel_loop3A_114 : i32
      %parallel_loop3A_116 = vector.broadcast %parallel_loop3A_115 : i32 to vector<16xi32>
      %parallel_loop3A_117 = arith.shrui %parallel_loop3A_71, %parallel_loop3A_116 : vector<16xi32>
      %parallel_loop3A_118 = arith.constant 1 : i32
      %parallel_loop3A_119 = vector.broadcast %parallel_loop3A_118 : i32 to vector<16xi32>
      %parallel_loop3A_120 = arith.andi %parallel_loop3A_117, %parallel_loop3A_119 : vector<16xi32>
      %parallel_loop3A_121 = arith.sitofp %parallel_loop3A_120 : vector<16xi32> to vector<16xf32>
      %parallel_loop3A_122 = arith.constant 16 : i32
      %parallel_loop3A_123 = arith.muli %parallel_loop3A_65, %parallel_loop3A_122 : i32
      %parallel_loop3A_124 = arith.constant 3 : i32
      %parallel_loop3A_125 = arith.index_cast %parallel_loop3A_124 : i32 to index
      %parallel_loop3A_126 = arith.index_cast %parallel_loop3A_123 : i32 to index
      %parallel_loop3A_127 = tpu.vector_load %arg7[%parallel_loop3A_125, %parallel_loop3A_126] {strides = array<i32>} : memref<16x1024xf32, #tpu.memory_space<vmem>>, vector<16xf32>,
      tpu.vector_store %arg7[%parallel_loop3A_125, %parallel_loop3A_126], %parallel_loop3A_121 {strides = array<i32>} : memref<16x1024xf32, #tpu.memory_space<vmem>>, vector<16xf32>,
      %parallel_loop3A_128 = arith.constant 4 : i32
      %parallel_loop3A_129 = arith.subi %sub3A_15, %parallel_loop3A_128 : i32
      %parallel_loop3A_130 = vector.broadcast %parallel_loop3A_129 : i32 to vector<16xi32>
      %parallel_loop3A_131 = arith.shrui %parallel_loop3A_71, %parallel_loop3A_130 : vector<16xi32>
      %parallel_loop3A_132 = arith.constant 1 : i32
      %parallel_loop3A_133 = vector.broadcast %parallel_loop3A_132 : i32 to vector<16xi32>
      %parallel_loop3A_134 = arith.andi %parallel_loop3A_131, %parallel_loop3A_133 : vector<16xi32>
      %parallel_loop3A_135 = arith.sitofp %parallel_loop3A_134 : vector<16xi32> to vector<16xf32>
      %parallel_loop3A_136 = arith.constant 16 : i32
      %parallel_loop3A_137 = arith.muli %parallel_loop3A_65, %parallel_loop3A_136 : i32
      %parallel_loop3A_138 = arith.constant 4 : i32
      %parallel_loop3A_139 = arith.index_cast %parallel_loop3A_138 : i32 to index
      %parallel_loop3A_140 = arith.index_cast %parallel_loop3A_137 : i32 to index
      %parallel_loop3A_141 = tpu.vector_load %arg7[%parallel_loop3A_139, %parallel_loop3A_140] {strides = array<i32>} : memref<16x1024xf32, #tpu.memory_space<vmem>>, vector<16xf32>,
      tpu.vector_store %arg7[%parallel_loop3A_139, %parallel_loop3A_140], %parallel_loop3A_135 {strides = array<i32>} : memref<16x1024xf32, #tpu.memory_space<vmem>>, vector<16xf32>,
      %parallel_loop3A_142 = arith.constant 5 : i32
      %parallel_loop3A_143 = arith.subi %sub3A_15, %parallel_loop3A_142 : i32
      %parallel_loop3A_144 = vector.broadcast %parallel_loop3A_143 : i32 to vector<16xi32>
      %parallel_loop3A_145 = arith.shrui %parallel_loop3A_71, %parallel_loop3A_144 : vector<16xi32>
      %parallel_loop3A_146 = arith.constant 1 : i32
      %parallel_loop3A_147 = vector.broadcast %parallel_loop3A_146 : i32 to vector<16xi32>
      %parallel_loop3A_148 = arith.andi %parallel_loop3A_145, %parallel_loop3A_147 : vector<16xi32>
      %parallel_loop3A_149 = arith.sitofp %parallel_loop3A_148 : vector<16xi32> to vector<16xf32>
      %parallel_loop3A_150 = arith.constant 16 : i32
      %parallel_loop3A_151 = arith.muli %parallel_loop3A_65, %parallel_loop3A_150 : i32
      %parallel_loop3A_152 = arith.constant 5 : i32
      %parallel_loop3A_153 = arith.index_cast %parallel_loop3A_152 : i32 to index
      %parallel_loop3A_154 = arith.index_cast %parallel_loop3A_151 : i32 to index
      %parallel_loop3A_155 = tpu.vector_load %arg7[%parallel_loop3A_153, %parallel_loop3A_154] {strides = array<i32>} : memref<16x1024xf32, #tpu.memory_space<vmem>>, vector<16xf32>,
      tpu.vector_store %arg7[%parallel_loop3A_153, %parallel_loop3A_154], %parallel_loop3A_149 {strides = array<i32>} : memref<16x1024xf32, #tpu.memory_space<vmem>>, vector<16xf32>,
      %parallel_loop3A_156 = arith.constant 6 : i32
      %parallel_loop3A_157 = arith.subi %sub3A_15, %parallel_loop3A_156 : i32
      %parallel_loop3A_158 = vector.broadcast %parallel_loop3A_157 : i32 to vector<16xi32>
      %parallel_loop3A_159 = arith.shrui %parallel_loop3A_71, %parallel_loop3A_158 : vector<16xi32>
      %parallel_loop3A_160 = arith.constant 1 : i32
      %parallel_loop3A_161 = vector.broadcast %parallel_loop3A_160 : i32 to vector<16xi32>
      %parallel_loop3A_162 = arith.andi %parallel_loop3A_159, %parallel_loop3A_161 : vector<16xi32>
      %parallel_loop3A_163 = arith.sitofp %parallel_loop3A_162 : vector<16xi32> to vector<16xf32>
      %parallel_loop3A_164 = arith.constant 16 : i32
      %parallel_loop3A_165 = arith.muli %parallel_loop3A_65, %parallel_loop3A_164 : i32
      %parallel_loop3A_166 = arith.constant 6 : i32
      %parallel_loop3A_167 = arith.index_cast %parallel_loop3A_166 : i32 to index
      %parallel_loop3A_168 = arith.index_cast %parallel_loop3A_165 : i32 to index
      %parallel_loop3A_169 = tpu.vector_load %arg7[%parallel_loop3A_167, %parallel_loop3A_168] {strides = array<i32>} : memref<16x1024xf32, #tpu.memory_space<vmem>>, vector<16xf32>,
      tpu.vector_store %arg7[%parallel_loop3A_167, %parallel_loop3A_168], %parallel_loop3A_163 {strides = array<i32>} : memref<16x1024xf32, #tpu.memory_space<vmem>>, vector<16xf32>,
      %parallel_loop3A_170 = arith.constant 7 : i32
      %parallel_loop3A_171 = arith.subi %sub3A_15, %parallel_loop3A_170 : i32
      %parallel_loop3A_172 = vector.broadcast %parallel_loop3A_171 : i32 to vector<16xi32>
      %parallel_loop3A_173 = arith.shrui %parallel_loop3A_71, %parallel_loop3A_172 : vector<16xi32>
      %parallel_loop3A_174 = arith.constant 1 : i32
      %parallel_loop3A_175 = vector.broadcast %parallel_loop3A_174 : i32 to vector<16xi32>
      %parallel_loop3A_176 = arith.andi %parallel_loop3A_173, %parallel_loop3A_175 : vector<16xi32>
      %parallel_loop3A_177 = arith.sitofp %parallel_loop3A_176 : vector<16xi32> to vector<16xf32>
      %parallel_loop3A_178 = arith.constant 16 : i32
      %parallel_loop3A_179 = arith.muli %parallel_loop3A_65, %parallel_loop3A_178 : i32
      %parallel_loop3A_180 = arith.constant 7 : i32
      %parallel_loop3A_181 = arith.index_cast %parallel_loop3A_180 : i32 to index
      %parallel_loop3A_182 = arith.index_cast %parallel_loop3A_179 : i32 to index
      %parallel_loop3A_183 = tpu.vector_load %arg7[%parallel_loop3A_181, %parallel_loop3A_182] {strides = array<i32>} : memref<16x1024xf32, #tpu.memory_space<vmem>>, vector<16xf32>,
      tpu.vector_store %arg7[%parallel_loop3A_181, %parallel_loop3A_182], %parallel_loop3A_177 {strides = array<i32>} : memref<16x1024xf32, #tpu.memory_space<vmem>>, vector<16xf32>,
      %parallel_loop3A_184 = arith.constant 8 : i32
      %parallel_loop3A_185 = arith.subi %sub3A_15, %parallel_loop3A_184 : i32
      %parallel_loop3A_186 = vector.broadcast %parallel_loop3A_185 : i32 to vector<16xi32>
      %parallel_loop3A_187 = arith.shrui %parallel_loop3A_71, %parallel_loop3A_186 : vector<16xi32>
      %parallel_loop3A_188 = arith.constant 1 : i32
      %parallel_loop3A_189 = vector.broadcast %parallel_loop3A_188 : i32 to vector<16xi32>
      %parallel_loop3A_190 = arith.andi %parallel_loop3A_187, %parallel_loop3A_189 : vector<16xi32>
      %parallel_loop3A_191 = arith.sitofp %parallel_loop3A_190 : vector<16xi32> to vector<16xf32>
      %parallel_loop3A_192 = arith.constant 16 : i32
      %parallel_loop3A_193 = arith.muli %parallel_loop3A_65, %parallel_loop3A_192 : i32
      %parallel_loop3A_194 = arith.constant 8 : i32
      %parallel_loop3A_195 = arith.index_cast %parallel_loop3A_194 : i32 to index
      %parallel_loop3A_196 = arith.index_cast %parallel_loop3A_193 : i32 to index
      %parallel_loop3A_197 = tpu.vector_load %arg7[%parallel_loop3A_195, %parallel_loop3A_196] {strides = array<i32>} : memref<16x1024xf32, #tpu.memory_space<vmem>>, vector<16xf32>,
      tpu.vector_store %arg7[%parallel_loop3A_195, %parallel_loop3A_196], %parallel_loop3A_191 {strides = array<i32>} : memref<16x1024xf32, #tpu.memory_space<vmem>>, vector<16xf32>,
      %parallel_loop3A_198 = arith.constant 9 : i32
      %parallel_loop3A_199 = arith.subi %sub3A_15, %parallel_loop3A_198 : i32
      %parallel_loop3A_200 = vector.broadcast %parallel_loop3A_199 : i32 to vector<16xi32>
      %parallel_loop3A_201 = arith.shrui %parallel_loop3A_71, %parallel_loop3A_200 : vector<16xi32>
      %parallel_loop3A_202 = arith.constant 1 : i32
      %parallel_loop3A_203 = vector.broadcast %parallel_loop3A_202 : i32 to vector<16xi32>
      %parallel_loop3A_204 = arith.andi %parallel_loop3A_201, %parallel_loop3A_203 : vector<16xi32>
      %parallel_loop3A_205 = arith.sitofp %parallel_loop3A_204 : vector<16xi32> to vector<16xf32>
      %parallel_loop3A_206 = arith.constant 16 : i32
      %parallel_loop3A_207 = arith.muli %parallel_loop3A_65, %parallel_loop3A_206 : i32
      %parallel_loop3A_208 = arith.constant 9 : i32
      %parallel_loop3A_209 = arith.index_cast %parallel_loop3A_208 : i32 to index
      %parallel_loop3A_210 = arith.index_cast %parallel_loop3A_207 : i32 to index
      %parallel_loop3A_211 = tpu.vector_load %arg7[%parallel_loop3A_209, %parallel_loop3A_210] {strides = array<i32>} : memref<16x1024xf32, #tpu.memory_space<vmem>>, vector<16xf32>,
      tpu.vector_store %arg7[%parallel_loop3A_209, %parallel_loop3A_210], %parallel_loop3A_205 {strides = array<i32>} : memref<16x1024xf32, #tpu.memory_space<vmem>>, vector<16xf32>,
      %parallel_loop3A_212 = arith.constant 10 : i32
      %parallel_loop3A_213 = arith.subi %sub3A_15, %parallel_loop3A_212 : i32
      %parallel_loop3A_214 = vector.broadcast %parallel_loop3A_213 : i32 to vector<16xi32>
      %parallel_loop3A_215 = arith.shrui %parallel_loop3A_71, %parallel_loop3A_214 : vector<16xi32>
      %parallel_loop3A_216 = arith.constant 1 : i32
      %parallel_loop3A_217 = vector.broadcast %parallel_loop3A_216 : i32 to vector<16xi32>
      %parallel_loop3A_218 = arith.andi %parallel_loop3A_215, %parallel_loop3A_217 : vector<16xi32>
      %parallel_loop3A_219 = arith.sitofp %parallel_loop3A_218 : vector<16xi32> to vector<16xf32>
      %parallel_loop3A_220 = arith.constant 16 : i32
      %parallel_loop3A_221 = arith.muli %parallel_loop3A_65, %parallel_loop3A_220 : i32
      %parallel_loop3A_222 = arith.constant 10 : i32
      %parallel_loop3A_223 = arith.index_cast %parallel_loop3A_222 : i32 to index
      %parallel_loop3A_224 = arith.index_cast %parallel_loop3A_221 : i32 to index
      %parallel_loop3A_225 = tpu.vector_load %arg7[%parallel_loop3A_223, %parallel_loop3A_224] {strides = array<i32>} : memref<16x1024xf32, #tpu.memory_space<vmem>>, vector<16xf32>,
      tpu.vector_store %arg7[%parallel_loop3A_223, %parallel_loop3A_224], %parallel_loop3A_219 {strides = array<i32>} : memref<16x1024xf32, #tpu.memory_space<vmem>>, vector<16xf32>,
      %parallel_loop3A_226 = arith.constant 11 : i32
      %parallel_loop3A_227 = arith.subi %sub3A_15, %parallel_loop3A_226 : i32
      %parallel_loop3A_228 = vector.broadcast %parallel_loop3A_227 : i32 to vector<16xi32>
      %parallel_loop3A_229 = arith.shrui %parallel_loop3A_71, %parallel_loop3A_228 : vector<16xi32>
      %parallel_loop3A_230 = arith.constant 1 : i32
      %parallel_loop3A_231 = vector.broadcast %parallel_loop3A_230 : i32 to vector<16xi32>
      %parallel_loop3A_232 = arith.andi %parallel_loop3A_229, %parallel_loop3A_231 : vector<16xi32>
      %parallel_loop3A_233 = arith.sitofp %parallel_loop3A_232 : vector<16xi32> to vector<16xf32>
      %parallel_loop3A_234 = arith.constant 16 : i32
      %parallel_loop3A_235 = arith.muli %parallel_loop3A_65, %parallel_loop3A_234 : i32
      %parallel_loop3A_236 = arith.constant 11 : i32
      %parallel_loop3A_237 = arith.index_cast %parallel_loop3A_236 : i32 to index
      %parallel_loop3A_238 = arith.index_cast %parallel_loop3A_235 : i32 to index
      %parallel_loop3A_239 = tpu.vector_load %arg7[%parallel_loop3A_237, %parallel_loop3A_238] {strides = array<i32>} : memref<16x1024xf32, #tpu.memory_space<vmem>>, vector<16xf32>,
      tpu.vector_store %arg7[%parallel_loop3A_237, %parallel_loop3A_238], %parallel_loop3A_233 {strides = array<i32>} : memref<16x1024xf32, #tpu.memory_space<vmem>>, vector<16xf32>,
      %parallel_loop3A_240 = arith.constant 12 : i32
      %parallel_loop3A_241 = arith.subi %sub3A_15, %parallel_loop3A_240 : i32
      %parallel_loop3A_242 = vector.broadcast %parallel_loop3A_241 : i32 to vector<16xi32>
      %parallel_loop3A_243 = arith.shrui %parallel_loop3A_71, %parallel_loop3A_242 : vector<16xi32>
      %parallel_loop3A_244 = arith.constant 1 : i32
      %parallel_loop3A_245 = vector.broadcast %parallel_loop3A_244 : i32 to vector<16xi32>
      %parallel_loop3A_246 = arith.andi %parallel_loop3A_243, %parallel_loop3A_245 : vector<16xi32>
      %parallel_loop3A_247 = arith.sitofp %parallel_loop3A_246 : vector<16xi32> to vector<16xf32>
      %parallel_loop3A_248 = arith.constant 16 : i32
      %parallel_loop3A_249 = arith.muli %parallel_loop3A_65, %parallel_loop3A_248 : i32
      %parallel_loop3A_250 = arith.constant 12 : i32
      %parallel_loop3A_251 = arith.index_cast %parallel_loop3A_250 : i32 to index
      %parallel_loop3A_252 = arith.index_cast %parallel_loop3A_249 : i32 to index
      %parallel_loop3A_253 = tpu.vector_load %arg7[%parallel_loop3A_251, %parallel_loop3A_252] {strides = array<i32>} : memref<16x1024xf32, #tpu.memory_space<vmem>>, vector<16xf32>,
      tpu.vector_store %arg7[%parallel_loop3A_251, %parallel_loop3A_252], %parallel_loop3A_247 {strides = array<i32>} : memref<16x1024xf32, #tpu.memory_space<vmem>>, vector<16xf32>,
      %parallel_loop3A_254 = arith.constant 13 : i32
      %parallel_loop3A_255 = arith.subi %sub3A_15, %parallel_loop3A_254 : i32
      %parallel_loop3A_256 = vector.broadcast %parallel_loop3A_255 : i32 to vector<16xi32>
      %parallel_loop3A_257 = arith.shrui %parallel_loop3A_71, %parallel_loop3A_256 : vector<16xi32>
      %parallel_loop3A_258 = arith.constant 1 : i32
      %parallel_loop3A_259 = vector.broadcast %parallel_loop3A_258 : i32 to vector<16xi32>
      %parallel_loop3A_260 = arith.andi %parallel_loop3A_257, %parallel_loop3A_259 : vector<16xi32>
      %parallel_loop3A_261 = arith.sitofp %parallel_loop3A_260 : vector<16xi32> to vector<16xf32>
      %parallel_loop3A_262 = arith.constant 16 : i32
      %parallel_loop3A_263 = arith.muli %parallel_loop3A_65, %parallel_loop3A_262 : i32
      %parallel_loop3A_264 = arith.constant 13 : i32
      %parallel_loop3A_265 = arith.index_cast %parallel_loop3A_264 : i32 to index
      %parallel_loop3A_266 = arith.index_cast %parallel_loop3A_263 : i32 to index
      %parallel_loop3A_267 = tpu.vector_load %arg7[%parallel_loop3A_265, %parallel_loop3A_266] {strides = array<i32>} : memref<16x1024xf32, #tpu.memory_space<vmem>>, vector<16xf32>,
      tpu.vector_store %arg7[%parallel_loop3A_265, %parallel_loop3A_266], %parallel_loop3A_261 {strides = array<i32>} : memref<16x1024xf32, #tpu.memory_space<vmem>>, vector<16xf32>,
      %parallel_loop3A_268 = arith.constant 14 : i32
      %parallel_loop3A_269 = arith.subi %sub3A_15, %parallel_loop3A_268 : i32
      %parallel_loop3A_270 = vector.broadcast %parallel_loop3A_269 : i32 to vector<16xi32>
      %parallel_loop3A_271 = arith.shrui %parallel_loop3A_71, %parallel_loop3A_270 : vector<16xi32>
      %parallel_loop3A_272 = arith.constant 1 : i32
      %parallel_loop3A_273 = vector.broadcast %parallel_loop3A_272 : i32 to vector<16xi32>
      %parallel_loop3A_274 = arith.andi %parallel_loop3A_271, %parallel_loop3A_273 : vector<16xi32>
      %parallel_loop3A_275 = arith.sitofp %parallel_loop3A_274 : vector<16xi32> to vector<16xf32>
      %parallel_loop3A_276 = arith.constant 16 : i32
      %parallel_loop3A_277 = arith.muli %parallel_loop3A_65, %parallel_loop3A_276 : i32
      %parallel_loop3A_278 = arith.constant 14 : i32
      %parallel_loop3A_279 = arith.index_cast %parallel_loop3A_278 : i32 to index
      %parallel_loop3A_280 = arith.index_cast %parallel_loop3A_277 : i32 to index
      %parallel_loop3A_281 = tpu.vector_load %arg7[%parallel_loop3A_279, %parallel_loop3A_280] {strides = array<i32>} : memref<16x1024xf32, #tpu.memory_space<vmem>>, vector<16xf32>,
      tpu.vector_store %arg7[%parallel_loop3A_279, %parallel_loop3A_280], %parallel_loop3A_275 {strides = array<i32>} : memref<16x1024xf32, #tpu.memory_space<vmem>>, vector<16xf32>,
      %parallel_loop3A_282 = arith.constant 15 : i32
      %parallel_loop3A_283 = arith.subi %sub3A_15, %parallel_loop3A_282 : i32
      %parallel_loop3A_284 = vector.broadcast %parallel_loop3A_283 : i32 to vector<16xi32>
      %parallel_loop3A_285 = arith.shrui %parallel_loop3A_71, %parallel_loop3A_284 : vector<16xi32>
      %parallel_loop3A_286 = arith.constant 1 : i32
      %parallel_loop3A_287 = vector.broadcast %parallel_loop3A_286 : i32 to vector<16xi32>
      %parallel_loop3A_288 = arith.andi %parallel_loop3A_285, %parallel_loop3A_287 : vector<16xi32>
      %parallel_loop3A_289 = arith.sitofp %parallel_loop3A_288 : vector<16xi32> to vector<16xf32>
      %parallel_loop3A_290 = arith.constant 16 : i32
      %parallel_loop3A_291 = arith.muli %parallel_loop3A_65, %parallel_loop3A_290 : i32
      %parallel_loop3A_292 = arith.constant 15 : i32
      %parallel_loop3A_293 = arith.index_cast %parallel_loop3A_292 : i32 to index
      %parallel_loop3A_294 = arith.index_cast %parallel_loop3A_291 : i32 to index
      %parallel_loop3A_295 = tpu.vector_load %arg7[%parallel_loop3A_293, %parallel_loop3A_294] {strides = array<i32>} : memref<16x1024xf32, #tpu.memory_space<vmem>>, vector<16xf32>,
      tpu.vector_store %arg7[%parallel_loop3A_293, %parallel_loop3A_294], %parallel_loop3A_289 {strides = array<i32>} : memref<16x1024xf32, #tpu.memory_space<vmem>>, vector<16xf32>,
    } {sc.loop_unroll_factor = 8 : i64, sc.parallel_access}
    %mul3A_33 = arith.constant 16 : i32
    %mul3A_34 = arith.muli %add3A, %mul3A_33 : i32
    %dma_start3A_35 = arith.constant 0 : i32
    %dma_start3A_36 = arith.constant 512 : i32
    %dma_start3A_37 = tpu.memref_slice %arg7[%dma_start3A_35, %dma_start3A_36] : memref<16x1024xf32, #tpu.memory_space<vmem>> -> memref<16x512xf32, #tpu.memory_space<vmem>>
    %dma_start3A_38 = arith.constant 512 : i32
    %dma_start3A_39 = tpu.memref_slice %arg4[%mul3A_34, %dma_start3A_38] : memref<512x1024xf32, #tpu.memory_space<hbm>> -> memref<16x512xf32, #tpu.memory_space<hbm>>
    %dma_start3A_40 = arith.constant 512 : i32
    %dma_start3A_41 = tpu.memref_slice %arg4[%mul3A_34, %dma_start3A_40] : memref<512x1024xf32, #tpu.memory_space<hbm>> -> memref<16x512xf32, #tpu.memory_space<hbm>>
    %dma_start3A_42 = arith.constant 0 : i32
    %dma_start3A_43 = arith.constant 512 : i32
    %dma_start3A_44 = tpu.memref_slice %arg7[%dma_start3A_42, %dma_start3A_43] : memref<16x1024xf32, #tpu.memory_space<vmem>> -> memref<16x512xf32, #tpu.memory_space<vmem>>
    tpu.enqueue_dma source(%dma_start3A_44 : memref<16x512xf32, #tpu.memory_space<vmem>>) target(%dma_start3A_41 : memref<16x512xf32, #tpu.memory_space<hbm>>) target_semaphore(%arg8 : memref<!tpu.dma_semaphore, #tpu.memory_space<semaphore_mem>>)
    %dma_wait3A_45 = arith.constant 0 : i32
    %dma_wait3A_46 = arith.constant 0 : i32
    %dma_wait3A_47 = tpu.memref_slice %arg7[%dma_wait3A_45, %dma_wait3A_46] : memref<16x1024xf32, #tpu.memory_space<vmem>> -> memref<16x512xf32, #tpu.memory_space<vmem>>
    %dma_wait3A_48 = arith.constant 0 : i32
    %dma_wait3A_49 = tpu.memref_slice %arg4[%mul3A_19, %dma_wait3A_48] : memref<512x1024xf32, #tpu.memory_space<hbm>> -> memref<16x512xf32, #tpu.memory_space<hbm>>
    %dma_wait3A_50 = arith.constant 0 : i32
    %dma_wait3A_51 = tpu.memref_slice %arg4[%mul3A_19, %dma_wait3A_50] : memref<512x1024xf32, #tpu.memory_space<hbm>> -> memref<16x512xf32, #tpu.memory_space<hbm>>
    %dma_wait3A_52 = arith.constant 0 : i32
    %dma_wait3A_53 = arith.constant 0 : i32
    %dma_wait3A_54 = tpu.memref_slice %arg7[%dma_wait3A_52, %dma_wait3A_53] : memref<16x1024xf32, #tpu.memory_space<vmem>> -> memref<16x512xf32, #tpu.memory_space<vmem>>
    tpu.wait_dma2 semaphore(%arg8 : memref<!tpu.dma_semaphore, #tpu.memory_space<semaphore_mem>>) src(%dma_wait3A_54 : memref<16x512xf32, #tpu.memory_space<vmem>>) dst(%dma_wait3A_51 : memref<16x512xf32, #tpu.memory_space<hbm>>)
    %dma_wait3A_55 = arith.constant 0 : i32
    %dma_wait3A_56 = arith.constant 512 : i32
    %dma_wait3A_57 = tpu.memref_slice %arg7[%dma_wait3A_55, %dma_wait3A_56] : memref<16x1024xf32, #tpu.memory_space<vmem>> -> memref<16x512xf32, #tpu.memory_space<vmem>>
    %dma_wait3A_58 = arith.constant 512 : i32
    %dma_wait3A_59 = tpu.memref_slice %arg4[%mul3A_34, %dma_wait3A_58] : memref<512x1024xf32, #tpu.memory_space<hbm>> -> memref<16x512xf32, #tpu.memory_space<hbm>>
    %dma_wait3A_60 = arith.constant 512 : i32
    %dma_wait3A_61 = tpu.memref_slice %arg4[%mul3A_34, %dma_wait3A_60] : memref<512x1024xf32, #tpu.memory_space<hbm>> -> memref<16x512xf32, #tpu.memory_space<hbm>>
    %dma_wait3A_62 = arith.constant 0 : i32
    %dma_wait3A_63 = arith.constant 512 : i32
    %dma_wait3A_64 = tpu.memref_slice %arg7[%dma_wait3A_62, %dma_wait3A_63] : memref<16x1024xf32, #tpu.memory_space<vmem>> -> memref<16x512xf32, #tpu.memory_space<vmem>>
    tpu.wait_dma2 semaphore(%arg8 : memref<!tpu.dma_semaphore, #tpu.memory_space<semaphore_mem>>) src(%dma_wait3A_64 : memref<16x512xf32, #tpu.memory_space<vmem>>) dst(%dma_wait3A_61 : memref<16x512xf32, #tpu.memory_space<hbm>>)
    return
  }
}

</mosaic_0001>

<sc_bundles>
// kernel: kernel.3.cloned.1.call-start
scs
__scs_entry_jumppad:
0x0: {  	(pc) =	sbr.rel $0x88, $3  }
0x1: {  	(tag) =	ssettag $0x0;
	lr =	simm.s32 $0x1  }
0x2: {  	[smem:$0x3F9F] =	sst lr;
	_ =	strace $0xD0000000  }
0x3: {  	_ = 	snop  }
0x4: {  	_ = 	snop  }
0x5: {  	_ = 	snop  }
0x6: {  	_ = 	snop  }
0x7: {  	_ = 	snop  }
__scs_overlays_trampoline_lowered:
0x8: {  	[smem:$0x3FAE] =	sst s0  }
0x9: {  	[smem:$0x3FAF] =	sst s1  }
0xa: {  	[smem:$0x3FB0] =	sst s2  }
0xb: {  	[smem:$0x3FB1] =	sst s3  }
0xc: {  	[smem:$0x3FB2] =	sst s4  }
0xd: {  	[smem:$0x3FB3] =	sst s5  }
0xe: {  	[smem:$0x3FB4] =	sst s6  }
0xf: {  	[smem:$0x3FB5] =	sst s7  }
0x10: {  	[smem:$0x3FB6] =	sst s8  }
0x11: {  	[smem:$0x3FB7] =	sst s9;
	s0 =	simm.s32 @!p0 $0x0  }
0x12: {  	s1 =	sld [smem:$0x3F9D];
	s0 =	simm.s32 @p0 $0x1  }
0x13: {  	[smem:$0x3FB8] =	sst s0;
	s0 =	simm.s32 @!p1 $0x0  }
0x14: {  	s2 =	sld [smem:$0x3F9C];
	s0 =	simm.s32 @p1 $0x1  }
0x15: {  	[smem:$0x3FB9] =	sst s0;
	s0 =	simm.s32 @!p2 $0x0  }
0x16: {  	s3 =	sld [smem:$0x3FDB];
	s0 =	simm.s32 @p2 $0x1  }
0x17: {  	s4 =	simm.s32 $0x1BF5;
	[smem:$0x3FBB] =	sst s0  }
0x18: {  	s0 =	sld [smem:$0x3F9E];
	_ =	swait.ge [sflag:s4], $0x0  }
0x19: {  	s7 =	sld [smem:$0x3F9F]  }
0x1a: {  	s8 =	sadd.s32 $0xFFFFE003, lr  }
0x1b: {  	s9 =	sadd.s32 $0xFFFFFEF7, lr;
	s5 =	simm.s32 $0xFFFFFFFF;
	p2 =	slt.u32 s8, $0xFFFFF086  }
0x1c: {  	p1 =	slt.u32 s9, $0xF7A;
	s5 =	simm.s32 @!p2 $0x0  }
0x1d: {  	s5 =	simm.s32 @p1 $0x1;
	p0 =	seq.s32 s7, s2  }
0x1e: {  	s7 =	smul.u32 @!p0 $0xF7A, s2;
	p2 =	seq.s32 @!p0 s5, $0x0  }
0x1f: {  	s9 =	smul.u32 $0xF7A, s1;
	s8 =	simm.s32 @!p0 $0x1BF5;
	p2 =	por !p2, p0  }
0x20: {  	[sflag:s8] =	ssyncset.s32 @!p0 $0xFFFFF086;
	s6 =	sadd.s32 @!p0 s3, s7;
	s7 =	simm.s32 @!p0 $0x108  }
0x21: {  	s3 =	sadd.s32 s3, s9;
	s6 =	sadd.s32 @!p0 $0x88, s6;
	s7 =	simm.s32 @p2 $0x1082  }
0x22: {  	[simem:s7], [sflag:s8] =	dma.local @!p0 [hbm:s6], $0xF7A  }
0x23: {  	s9 =	sor.u32 $0xD0000000, s2;
	s6 =	simm.s32 $0x108;
	_ =	swait.ge @!p0 [sflag:s8], $0x0  }
0x24: {  	s3 =	sadd.s32 $0x88, s3;
	s6 =	simm.s32 @!p1 $0x1082;
	[sflag:s4] =	ssyncset.s32 $0xFFFFF086  }
0x25: {  	[simem:s6], [sflag:s4] =	dma.local [hbm:s3], $0xF7A  }
0x26: {  	[smem:$0x3F9F] =	sst s1;
	(tag) =	ssettag s2;
	_ =	strace s9  }
0x27: {  	s1 =	sld [smem:$0x3FAF]  }
0x28: {  	s2 =	sld [smem:$0x3FB0]  }
0x29: {  	s4 =	sld [smem:$0x3FB2]  }
0x2a: {  	p0 =	seq.s32 s5, $0x0;
	s5 =	sld [smem:$0x3FB3]  }
0x2b: {  	s6 =	sld [smem:$0x3FB4]  }
0x2c: {  	s7 =	sld [smem:$0x3FB5]  }
0x2d: {  	s3 =	simm.s32 $0x108;
	s8 =	sld [smem:$0x3FB6]  }
0x2e: {  	s3 =	simm.s32 @!p0 $0x1082;
	s9 =	sld [smem:$0x3FB7]  }
0x2f: {  	lr =	sadd.s32 s0, s3;
	s0 =	sld [smem:$0x3FAE]  }
0x30: {  	s3 =	sld [smem:$0x3FB1]  }
0x31: {  	[smem:$0x3FBA] =	sst s10  }
0x32: {  	s10 =	sld [smem:$0x3FB8];
	_ =	sdelay $0x3  }
0x33: {  	p0 =	seq.s32 s10, $0x1;
	s10 =	sld [smem:$0x3FBA];
	_ =	sdelay $0x3  }
0x34: {  	[smem:$0x3FBA] =	sst s10  }
0x35: {  	s10 =	sld [smem:$0x3FB9];
	_ =	sdelay $0x3  }
0x36: {  	p1 =	seq.s32 s10, $0x1;
	s10 =	sld [smem:$0x3FBA];
	_ =	sdelay $0x3  }
0x37: {  	[smem:$0x3FBA] =	sst s10  }
0x38: {  	s10 =	sld [smem:$0x3FBB]  }
0x39: {  	_ = 	snop;
	(pc) =	sbr.ind lr, $3  }
0x3a: {  	_ = 	snop  }
0x3b: {  	_ = 	snop  }
0x3c: {  	p2 =	seq.s32 s10, $0x1;
	s10 =	sld [smem:$0x3FBA]  }
0x3d: {  	_ =	shalt  }
0x3e: {  	_ =	shalt  }
0x3f: {  	_ =	shalt  }
0x40: {  	_ =	shalt  }
0x41: {  	_ =	shalt  }
0x42: {  	_ =	shalt  }
0x43: {  	_ =	shalt  }
0x44: {  	_ =	shalt  }
0x45: {  	_ =	shalt  }
0x46: {  	_ =	shalt  }
0x47: {  	_ =	shalt  }
0x48: {  	_ =	shalt  }
0x49: {  	_ =	shalt  }
0x4a: {  	_ =	shalt  }
0x4b: {  	_ =	shalt  }
0x4c: {  	_ =	shalt  }
0x4d: {  	_ =	shalt  }
0x4e: {  	_ =	shalt  }
0x4f: {  	_ =	shalt  }
0x50: {  	_ =	shalt  }
0x51: {  	_ =	shalt  }
0x52: {  	_ =	shalt  }
0x53: {  	_ =	shalt  }
0x54: {  	_ =	shalt  }
0x55: {  	_ =	shalt  }
0x56: {  	_ =	shalt  }
0x57: {  	_ =	shalt  }
0x58: {  	_ =	shalt  }
0x59: {  	_ =	shalt  }
0x5a: {  	_ =	shalt  }
0x5b: {  	_ =	shalt  }
0x5c: {  	_ =	shalt  }
0x5d: {  	_ =	shalt  }
0x5e: {  	_ =	shalt  }
0x5f: {  	_ =	shalt  }
0x60: {  	_ =	shalt  }
0x61: {  	_ =	shalt  }
0x62: {  	_ =	shalt  }
0x63: {  	_ =	shalt  }
0x64: {  	_ =	shalt  }
0x65: {  	_ =	shalt  }
0x66: {  	_ =	shalt  }
0x67: {  	_ =	shalt  }
0x68: {  	_ =	shalt  }
0x69: {  	_ =	shalt  }
0x6a: {  	_ =	shalt  }
0x6b: {  	_ =	shalt  }
0x6c: {  	_ =	shalt  }
0x6d: {  	_ =	shalt  }
0x6e: {  	_ =	shalt  }
0x6f: {  	_ =	shalt  }
0x70: {  	_ =	shalt  }
0x71: {  	_ =	shalt  }
0x72: {  	_ =	shalt  }
0x73: {  	_ =	shalt  }
0x74: {  	_ =	shalt  }
0x75: {  	_ =	shalt  }
0x76: {  	_ =	shalt  }
0x77: {  	_ =	shalt  }
0x78: {  	_ =	shalt  }
0x79: {  	_ =	shalt  }
0x7a: {  	_ =	shalt  }
0x7b: {  	_ =	shalt  }
0x7c: {  	_ =	shalt  }
0x7d: {  	_ =	shalt  }
0x7e: {  	_ =	shalt  }
0x7f: {  	_ =	shalt  }
0x80: {  	_ =	shalt  }
0x81: {  	_ =	shalt  }
0x82: {  	_ =	shalt  }
0x83: {  	_ =	shalt  }
0x84: {  	_ =	shalt  }
0x85: {  	_ =	shalt  }
0x86: {  	_ =	shalt  }
0x87: {  	_ =	shalt  }
.Lfunc_end0:
.L_simem_size_0:
called_computation_lowered:
.L_overlay_start_0:
0x88: {  	s2 =	sld [smem:$0x3FD9]  }
0x89: {  	s3 =	sld [smem:$0x3FFE];
	_ =	sdelay $0x1  }
0x8a: {  	s1 =	srdreg.scid  }
0x8b: {  	s0 =	sand.u32 $0x1, s1  }
0x8c: {  	s17 =	sshll.u32 s0, $0xA;
	s2 =	sadd.s32 s3, s2  }
0x8d: {  	s2 =	sadd.s32 s2, s17  }
0x8e: {  	[smem:$0x3FC6] =	sst s2  }
0x8f: {  	_ = 	snop  }
0x90: {  	s2 =	sld [smem:$0x3FC9]  }
0x91: {  	s18 =	sld [smem:$0x3FD0];
	(tm) =	ssettm $0x1  }
0x92: {  	s4 =	sld [smem:$0x3FFB];
	_ =	sdelay $0x3  }
0x93: {  	_ =	strace s4  }
0x94: {  	s4 =	sld [smem:$0x3FFC];
	_ =	sdelay $0x3  }
0x95: {  	_ =	strace s4  }
0x96: {  	s4 =	sld [smem:$0x3FFD];
	_ =	sdelay $0x3  }
0x97: {  	_ =	strace s4  }
0x98: {  	_ =	strace $0x8FFFFFFF  }
0x99: {  	s19 =	sld [smem:$0x3FDB];
	_ =	sdelay $0x1  }
0x9a: {  	s5 =	simm.s32 $_scs_section_size  }
0x9b: {  	s6 =	simm.s32 $_size__tile_overlayer_lowered;
	s7 =	simm.s32 $_tile_overlayer_lowered  }
0x9c: {  	s22 =	simm.s32 $0x1BFF;
	s21 =	sshll.u32 s7, $0x1;
	s4 =	sadd.s32 s5, s19  }
0x9d: {  	s8 =	simm.s32 $0x0;
	s20 =	sshll.u32 s6, $0x1;
	s6 =	sadd.s32 s21, s4  }
0x9e: {  	[timem:s8], [sflag:s22] =	dma.local [hbm:s6], s20  }
0x9f: {  	_ =	swait.ge [sflag:s22], s20  }
0xa0: {  	s5 =	ssub.s32 $0x0, s20;
	[sflag:s22] =	ssyncset.done $0x0  }
0xa1: {  	[sflag:s22] =	ssyncadd.s32 s5;
	_ =	sdelay $0x1  }
0xa2: {  	s23 =	simm.s32 $0x1B8B  }
0xa3: {  	_ =	swait.ge [sflag:s23], $0x1  }
0xa4: {  	[sflag:s23] =	ssyncset.done $0x0  }
0xa5: {  	s25 =	simm.s32 $0x1B8E;
	s24 =	sld [smem:$0x3FFE];
	[sflag:s23] =	ssyncadd.s32 $0xFFFFFFFF  }
0xa6: {  	s26 =	simm.s32 $execute0_lowered;
	[smem:$0x3FD2] =	sst s25  }
0xa7: {  	s6 =	sshll.u32 s26, $0x1;
	_ =	strace $0x80000046;
	[dreg:$0x1] =	wrdreg $0xFFFFFFFF  }
0xa8: {  	s28 =	simm.s32 $_size_execute0_lowered;
	s4 =	sadd.s32 s4, s6;
	[dreg:$0x0] =	wrdreg $0x0  }
0xa9: {  	s6 =	sshll.u32 s28, $0x1;
	[dreg:$0x2] =	wrdreg s4  }
0xaa: {  	[dreg:$0x3] =	wrdreg s6  }
0xab: {  	[dreg:$0x4] =	wrdreg $0xC0  }
0xac: {  	_ =	task [dreg:s8], $0x5FFFF  }
0xad: {  	[dreg:$0x1] =	wrdreg $0xFFFFFFFF  }
0xae: {  	[dreg:$0x0] =	wrdreg $0x60  }
0xaf: {  	[dreg:$0x2] =	wrdreg s2  }
0xb0: {  	[dreg:$0x3] =	wrdreg s24  }
0xb1: {  	[dreg:$0x4] =	wrdreg s18  }
0xb2: {  	[dreg:$0x5] =	wrdreg $0x9  }
0xb3: {  	_ =	task.clear_ibuf [dreg:s8], $0x6FFFF;
	_ =	strace $0x90000046  }
0xb4: {  	s29 =	simm.s32 $0x9;
	_ =	strace $0x80000048  }
0xb5: {  	_ =	swait.ge [sflag:s29], $0x1  }
0xb6: {  	[sflag:s29] =	ssyncadd.s32 $0xFFFFFFFF  }
0xb7: {  	_ =	strace $0x90000048  }
0xb8: {  	_ =	sfence  }
0xb9: {  	s30 =	sld [smem:$0x0];
	_ =	sdelay $0x2  }
0xba: {  	s31 =	sshll.u32 s1, $0xD;
	s1 =	sshrl.u32 s1, $0x2  }
0xbb: {  	s3 =	sand.u32 $0x4000, s31;
	s1 =	sadd.s32 s1, s30  }
0xbc: {  	s0 =	sor.u32 s3, s0;
	s1 =	sshll.u32 s1, $0x11  }
0xbd: {  	s0 =	sor.u32 s1, s0  }
0xbe: {  	s0 =	sadd.s32 $0x8F2B, s0  }
0xbf: {  	[sflag:s0] =	ssyncadd.remote.s32 $0x1  }
0xc0: {  	_ =	sfence.sel $0xFFFF  }
0xc1: {  	[dreg:$0x0] =	wrdreg $0xFFFFFFFF;
	(pc) =	sbr.abs _section_cstart, $3  }
0xc2: {  	[dreg:$0x1] =	wrdreg $0xFFFFFFFF  }
0xc3: {  	_ =	task.clear_ibuf [dreg:s8], $0x2FFFF;
	_ =	strace $0x9FFFFFFF  }
0xc4: {  	(tm) =	ssettm $0x7FFFFFFF  }
0xc5: {  	_ =	shalt  }
tec
execute0_lowered:
.L_overlay_start_1:
0x0: {  	(tag) =	ssettag $0x1  }
0x1: {  	s1 =	rddreg [dreg:$0x0]  }
0x2: {  	s4 =	rddreg [dreg:$0x1]  }
0x3: {  	s5 =	rddreg [dreg:$0x2]  }
0x4: {  	s0 =	rddreg [dreg:$0x3];
	s3 =	simm.s32 $0x0;
	s2 =	stileid.u32  }
0x5: {  	s7 =	srdreg.scid;
	[smem:$0x7FF] =	sst s3;
	s6 =	sshll.u32 s2, $0x4  }
0x6: {  	s7 =	sand.u32 $0x1, s7;
	s8 =	sshll.u32 s2, $0x7;
	s19 =	sshll.u32 s2, $0xC  }
0x7: {  	s6 =	sand.u32 $0x70, s6;
	s26 =	ssub.s32 $0x2, s7;
	s8 =	sand.u32 $0x400, s8  }
0x8: {  	_ =	strace $0x80000047;
	s29 =	sshll.u32 s7, $0x4;
	s7 =	sshll.u32 s7, $0xB  }
0x9: {  	s4 =	sadd.s32 s6, s4;
	s9 =	sshrl.u32 s26, $0x1;
	s30 =	sxor.u32 $0x1F, s29  }
0xa: {  	s10 =	sxor.u32 $0x1E, s29;
	s11 =	sxor.u32 $0x1D, s29;
	s12 =	sxor.u32 $0x1C, s29  }
0xb: {  	s13 =	sxor.u32 $0x1B, s29;
	s14 =	sxor.u32 $0x1A, s29;
	s15 =	sxor.u32 $0x19, s29  }
0xc: {  	s16 =	sxor.u32 $0x18, s29;
	s17 =	sxor.u32 $0x17, s29;
	s18 =	sxor.u32 $0x16, s29  }
0xd: {  	s20 =	sxor.u32 $0x15, s29;
	s7 =	sor.u32 s7, s19;
	s31 =	sxor.u32 $0x14, s29  }
0xe: {  	s21 =	sxor.u32 $0x13, s29;
	s22 =	sxor.u32 $0x12, s29;
	s23 =	sxor.u32 $0x11, s29  }
0xf: {  	s24 =	sxor.u32 $0x10, s29;
	s4 =	sadd.s32 s8, s4;
	s28 =	ssub.s32 s26, s9;
	v0 =	vmov s30  }
0x10: {  	s5 =	sadd.s32 s5, s7;
	v1 =	vmov s10;
	v2 =	vmov s11;
	v3 =	vmov s12;
	s8 =	simm.s32 $0x80;
	s9 =	simm.s32 $0x400  }
0x11: {  	v4 =	vmov s13;
	v5 =	vmov s14;
	v6 =	vmov s15;
	s10 =	simm.s32 $0x2;
	s11 =	simm.s32 $0x800;
	s13 =	simm.s32 $0x2800  }
0x12: {  	v7 =	vmov s16;
	v8 =	vmov s17;
	v9 =	vmov s18;
	s14 =	simm.s32 $0x1800;
	s16 =	simm.s32 $0x3800;
	s17 =	simm.s32 $0x1  }
0x13: {  	v10 =	vmov s20;
	v11 =	vmov s31;
	v12 =	vmov s21;
	s18 =	simm.s32 $0x0;
	s4 =	sadd.s32 $0x400, s4;
	s6 =	sadd.s32 $0x200, s5  }
0x14: {  	v13 =	vmov s22;
	v14 =	vmov s23;
	v15 =	vmov s24;
	s7 =	smax.u32 s28, $0x1;
	s12 =	sadd.s32 $0x400, s5;
	s15 =	sadd.s32 $0x400, s6  }
.LBB2_1:
0x15: {  	[tilespmem:s3], [sflag:$0x2] =	stream.linear.gather [hbm4b:s1+s3], $0x400, $0x38;
	[tilespmem:$0x4800] =	vst v63  }
0x16: {  	_ = 	snop  }
0x17: {  	[tilespmem:s9], [sflag:$0x2] =	stream.strided.gather [hbm4b:s4+s8], $0x400, s9, s8, $0x38;
	[tilespmem:$0x4800] =	vst v63  }
0x18: {  	_ =	swait.ge [sflag:s10], $0x400  }
0x19: {  	[sflag:s10] =	ssyncset.done $0x0  }
0x1a: {  	[sflag:s10] =	ssyncadd.s32 $0xFFFFFC00  }
0x1b: {  	_ =	swait.ge [sflag:s10], $0x400  }
0x1c: {  	s19 =	simm.s32 $0xFFFFFFF8;
	[sflag:s10] =	ssyncset.done $0x0  }
0x1d: {  	s20 =	simm.s32 $0x40;
	s21 =	simm.s32 $0x2800;
	[sflag:s10] =	ssyncadd.s32 $0xFFFFFC00  }
.LBB2_2:
0x1e: {  	v16 =	vld [tilespmem:s20+$0xFFFFFFC0];
	_ =	sdelay $0x7  }
0x1f: {  	v16 =	vld.idx.msk [tilespmem:v16+s9+$0x0], $0xffff;
	_ =	sdelay $0x4  }
0x20: {  	v17 =	vshrl.u32 v16, v0  }
0x21: {  	v18 =	vshrl.u32 v16, v1;
	v19 =	vshrl.u32 v16, v2;
	v17 =	vand.u32 $0x1, v17  }
0x22: {  	v20 =	vshrl.u32 v16, v3;
	v18 =	vand.u32 $0x1, v18;
	v17 =	vcvt.s32.f32 v17  }
0x23: {  	v21 =	vld [tilespmem:s20+$0xFFFFFFD0];
	v52 =	vshrl.u32 v16, v4;
	v51 =	vand.u32 $0x1, v20;
	v18 =	vcvt.s32.f32 v18  }
0x24: {  	v55 =	vshrl.u32 v16, v5;
	v19 =	vand.u32 $0x1, v19;
	v53 =	vcvt.s32.f32 v51;
	[tilespmem:s21+$0xFFFFE000] =	vst v17  }
0x25: {  	v57 =	vshrl.u32 v16, v6;
	v56 =	vand.u32 $0x1, v55;
	v17 =	vcvt.s32.f32 v19;
	[tilespmem:s21+$0xFFFFE080] =	vst v18  }
0x26: {  	v60 =	vshrl.u32 v16, v7;
	v54 =	vand.u32 $0x1, v52;
	v58 =	vcvt.s32.f32 v56;
	[tilespmem:s21+$0xFFFFE180] =	vst v53  }
0x27: {  	v62 =	vshrl.u32 v16, v8;
	v61 =	vand.u32 $0x1, v60;
	[tilespmem:s21+$0xFFFFE100] =	vst v17;
	v17 =	vcvt.s32.f32 v54  }
0x28: {  	v25 =	vshrl.u32 v16, v9;
	v59 =	vand.u32 $0x1, v57;
	v63 =	vcvt.s32.f32 v61;
	[tilespmem:s21+$0xFFFFE280] =	vst v58  }
0x29: {  	v27 =	vshrl.u32 v16, v10;
	v26 =	vand.u32 $0x1, v25;
	[tilespmem:s21+$0xFFFFE200] =	vst v17;
	v17 =	vcvt.s32.f32 v59  }
0x2a: {  	v30 =	vshrl.u32 v16, v11;
	v24 =	vand.u32 $0x1, v62;
	v28 =	vcvt.s32.f32 v26;
	[tilespmem:s21+$0xFFFFE380] =	vst v63  }
0x2b: {  	v21 =	vld.idx.msk [tilespmem:v21+s9+$0x0], $0xffff;
	v32 =	vshrl.u32 v16, v12;
	v31 =	vand.u32 $0x1, v30;
	[tilespmem:s21+$0xFFFFE300] =	vst v17;
	v17 =	vcvt.s32.f32 v24  }
0x2c: {  	v35 =	vshrl.u32 v16, v13;
	v29 =	vand.u32 $0x1, v27;
	v33 =	vcvt.s32.f32 v31;
	[tilespmem:s21+$0x80] =	vst v28  }
0x2d: {  	v37 =	vshrl.u32 v16, v14;
	v36 =	vand.u32 $0x1, v35;
	[tilespmem:s21+$0x0] =	vst v17;
	v17 =	vcvt.s32.f32 v29  }
0x2e: {  	v16 =	vshrl.u32 v16, v15;
	v34 =	vand.u32 $0x1, v32;
	v38 =	vcvt.s32.f32 v36;
	[tilespmem:s21+$0x180] =	vst v33  }
0x2f: {  	v16 =	vand.u32 $0x1, v16;
	[tilespmem:s21+$0x100] =	vst v17;
	v17 =	vcvt.s32.f32 v34  }
0x30: {  	v42 =	vshrl.u32 v21, v1;
	v39 =	vand.u32 $0x1, v37;
	v16 =	vcvt.s32.f32 v16;
	[tilespmem:s21+$0x280] =	vst v38  }
0x31: {  	v40 =	vshrl.u32 v21, v0;
	v43 =	vand.u32 $0x1, v42;
	[tilespmem:s21+$0x200] =	vst v17;
	v17 =	vcvt.s32.f32 v39  }
0x32: {  	v46 =	vshrl.u32 v21, v3;
	v41 =	vand.u32 $0x1, v40;
	[tilespmem:s21+$0x380] =	vst v16;
	v16 =	vcvt.s32.f32 v43  }
0x33: {  	v47 =	vld [tilespmem:s20+$0xFFFFFFE0];
	v44 =	vshrl.u32 v21, v2;
	v48 =	vand.u32 $0x1, v46;
	[tilespmem:s21+$0x300] =	vst v17;
	v17 =	vcvt.s32.f32 v41  }
0x34: {  	v45 =	vand.u32 $0x1, v44;
	v51 =	vshrl.u32 v21, v5;
	[tilespmem:s21+$0xFFFFE090] =	vst v16;
	v16 =	vcvt.s32.f32 v48  }
0x35: {  	v49 =	vshrl.u32 v21, v4;
	v52 =	vand.u32 $0x1, v51;
	[tilespmem:s21+$0xFFFFE010] =	vst v17;
	v17 =	vcvt.s32.f32 v45  }
0x36: {  	v50 =	vand.u32 $0x1, v49;
	v55 =	vshrl.u32 v21, v7;
	[tilespmem:s21+$0xFFFFE190] =	vst v16;
	v16 =	vcvt.s32.f32 v52  }
0x37: {  	v56 =	vand.u32 $0x1, v55;
	v53 =	vshrl.u32 v21, v6;
	[tilespmem:s21+$0xFFFFE110] =	vst v17;
	v17 =	vcvt.s32.f32 v50  }
0x38: {  	v54 =	vand.u32 $0x1, v53;
	v59 =	vshrl.u32 v21, v9;
	[tilespmem:s21+$0xFFFFE290] =	vst v16;
	v16 =	vcvt.s32.f32 v56  }
0x39: {  	v57 =	vshrl.u32 v21, v8;
	v60 =	vand.u32 $0x1, v59;
	[tilespmem:s21+$0xFFFFE210] =	vst v17;
	v17 =	vcvt.s32.f32 v54  }
0x3a: {  	v58 =	vand.u32 $0x1, v57;
	v63 =	vshrl.u32 v21, v11;
	[tilespmem:s21+$0xFFFFE390] =	vst v16;
	v16 =	vcvt.s32.f32 v60  }
0x3b: {  	v20 =	vld.idx.msk [tilespmem:v47+s9+$0x0], $0xffff;
	v61 =	vshrl.u32 v21, v10;
	v23 =	vand.u32 $0x1, v63;
	[tilespmem:s21+$0xFFFFE310] =	vst v17;
	v17 =	vcvt.s32.f32 v58  }
0x3c: {  	v26 =	vshrl.u32 v21, v13;
	v62 =	vand.u32 $0x1, v61;
	[tilespmem:s21+$0x90] =	vst v16;
	v16 =	vcvt.s32.f32 v23  }
0x3d: {  	v27 =	vand.u32 $0x1, v26;
	v24 =	vshrl.u32 v21, v12;
	[tilespmem:s21+$0x10] =	vst v17;
	v17 =	vcvt.s32.f32 v62  }
0x3e: {  	v30 =	vshrl.u32 v21, v15;
	v25 =	vand.u32 $0x1, v24;
	[tilespmem:s21+$0x190] =	vst v16;
	v16 =	vcvt.s32.f32 v27  }
0x3f: {  	v31 =	vand.u32 $0x1, v30;
	v28 =	vshrl.u32 v21, v14;
	[tilespmem:s21+$0x110] =	vst v17;
	v17 =	vcvt.s32.f32 v25  }
0x40: {  	v29 =	vand.u32 $0x1, v28;
	v34 =	vshrl.u32 v20, v1;
	[tilespmem:s21+$0x290] =	vst v16;
	v16 =	vcvt.s32.f32 v31  }
0x41: {  	v32 =	vshrl.u32 v20, v0;
	v35 =	vand.u32 $0x1, v34;
	[tilespmem:s21+$0x210] =	vst v17;
	v17 =	vcvt.s32.f32 v29  }
0x42: {  	v38 =	vshrl.u32 v20, v3;
	v33 =	vand.u32 $0x1, v32;
	[tilespmem:s21+$0x390] =	vst v16;
	v16 =	vcvt.s32.f32 v35  }
0x43: {  	v36 =	vshrl.u32 v20, v2;
	v40 =	vand.u32 $0x1, v38;
	v39 =	vld [tilespmem:s20+$0xFFFFFFF0];
	[tilespmem:s21+$0x310] =	vst v17;
	v17 =	vcvt.s32.f32 v33  }
0x44: {  	v43 =	vshrl.u32 v20, v5;
	v37 =	vand.u32 $0x1, v36;
	[tilespmem:s21+$0xFFFFE0A0] =	vst v16;
	v16 =	vcvt.s32.f32 v40  }
0x45: {  	v44 =	vand.u32 $0x1, v43;
	v41 =	vshrl.u32 v20, v4;
	[tilespmem:s21+$0xFFFFE020] =	vst v17;
	v17 =	vcvt.s32.f32 v37  }
0x46: {  	v47 =	vshrl.u32 v20, v7;
	v42 =	vand.u32 $0x1, v41;
	[tilespmem:s21+$0xFFFFE1A0] =	vst v16;
	v16 =	vcvt.s32.f32 v44  }
0x47: {  	v48 =	vand.u32 $0x1, v47;
	v45 =	vshrl.u32 v20, v6;
	[tilespmem:s21+$0xFFFFE120] =	vst v17;
	v17 =	vcvt.s32.f32 v42  }
0x48: {  	v51 =	vshrl.u32 v20, v9;
	v46 =	vand.u32 $0x1, v45;
	[tilespmem:s21+$0xFFFFE2A0] =	vst v16;
	v16 =	vcvt.s32.f32 v48  }
0x49: {  	v49 =	vshrl.u32 v20, v8;
	v52 =	vand.u32 $0x1, v51;
	[tilespmem:s21+$0xFFFFE220] =	vst v17;
	v17 =	vcvt.s32.f32 v46  }
0x4a: {  	v55 =	vshrl.u32 v20, v11;
	v50 =	vand.u32 $0x1, v49;
	[tilespmem:s21+$0xFFFFE3A0] =	vst v16;
	v16 =	vcvt.s32.f32 v52  }
0x4b: {  	v53 =	vshrl.u32 v20, v10;
	v56 =	vand.u32 $0x1, v55;
	v21 =	vld.idx.msk [tilespmem:v39+s9+$0x0], $0xffff;
	[tilespmem:s21+$0xFFFFE320] =	vst v17;
	v17 =	vcvt.s32.f32 v50  }
0x4c: {  	v59 =	vshrl.u32 v20, v13;
	v54 =	vand.u32 $0x1, v53;
	[tilespmem:s21+$0xA0] =	vst v16;
	v16 =	vcvt.s32.f32 v56  }
0x4d: {  	v57 =	vshrl.u32 v20, v12;
	v60 =	vand.u32 $0x1, v59;
	[tilespmem:s21+$0x20] =	vst v17;
	v17 =	vcvt.s32.f32 v54  }
0x4e: {  	v63 =	vshrl.u32 v20, v15;
	v58 =	vand.u32 $0x1, v57;
	[tilespmem:s21+$0x1A0] =	vst v16;
	v16 =	vcvt.s32.f32 v60  }
0x4f: {  	v61 =	vshrl.u32 v20, v14;
	v22 =	vand.u32 $0x1, v63;
	[tilespmem:s21+$0x120] =	vst v17;
	v17 =	vcvt.s32.f32 v58  }
0x50: {  	v62 =	vand.u32 $0x1, v61;
	v25 =	vshrl.u32 v21, v1;
	[tilespmem:s21+$0x2A0] =	vst v16;
	v16 =	vcvt.s32.f32 v22  }
0x51: {  	v23 =	vshrl.u32 v21, v0;
	v26 =	vand.u32 $0x1, v25;
	[tilespmem:s21+$0x220] =	vst v17;
	v17 =	vcvt.s32.f32 v62  }
0x52: {  	v24 =	vand.u32 $0x1, v23;
	v29 =	vshrl.u32 v21, v3;
	[tilespmem:s21+$0x3A0] =	vst v16;
	v16 =	vcvt.s32.f32 v26  }
0x53: {  	v30 =	vld [tilespmem:s20+$0x0];
	v27 =	vshrl.u32 v21, v2;
	v31 =	vand.u32 $0x1, v29;
	[tilespmem:s21+$0x320] =	vst v17;
	v17 =	vcvt.s32.f32 v24  }
0x54: {  	v34 =	vshrl.u32 v21, v5;
	v28 =	vand.u32 $0x1, v27;
	[tilespmem:s21+$0xFFFFE0B0] =	vst v16;
	v16 =	vcvt.s32.f32 v31  }
0x55: {  	v32 =	vshrl.u32 v21, v4;
	v35 =	vand.u32 $0x1, v34;
	[tilespmem:s21+$0xFFFFE030] =	vst v17;
	v17 =	vcvt.s32.f32 v28  }
0x56: {  	v38 =	vshrl.u32 v21, v7;
	v33 =	vand.u32 $0x1, v32;
	[tilespmem:s21+$0xFFFFE1B0] =	vst v16;
	v16 =	vcvt.s32.f32 v35  }
0x57: {  	v36 =	vshrl.u32 v21, v6;
	v39 =	vand.u32 $0x1, v38;
	[tilespmem:s21+$0xFFFFE130] =	vst v17;
	v17 =	vcvt.s32.f32 v33  }
0x58: {  	v37 =	vand.u32 $0x1, v36;
	v42 =	vshrl.u32 v21, v9;
	[tilespmem:s21+$0xFFFFE2B0] =	vst v16;
	v16 =	vcvt.s32.f32 v39  }
0x59: {  	v40 =	vshrl.u32 v21, v8;
	v43 =	vand.u32 $0x1, v42;
	[tilespmem:s21+$0xFFFFE230] =	vst v17;
	v17 =	vcvt.s32.f32 v37  }
0x5a: {  	v41 =	vand.u32 $0x1, v40;
	v46 =	vshrl.u32 v21, v11;
	[tilespmem:s21+$0xFFFFE3B0] =	vst v16;
	v16 =	vcvt.s32.f32 v43  }
0x5b: {  	v20 =	vld.idx.msk [tilespmem:v30+s9+$0x0], $0xffff;
	v44 =	vshrl.u32 v21, v10;
	v47 =	vand.u32 $0x1, v46;
	[tilespmem:s21+$0xFFFFE330] =	vst v17;
	v17 =	vcvt.s32.f32 v41  }
0x5c: {  	v45 =	vand.u32 $0x1, v44;
	v50 =	vshrl.u32 v21, v13;
	[tilespmem:s21+$0xB0] =	vst v16;
	v16 =	vcvt.s32.f32 v47  }
0x5d: {  	v48 =	vshrl.u32 v21, v12;
	v51 =	vand.u32 $0x1, v50;
	[tilespmem:s21+$0x30] =	vst v17;
	v17 =	vcvt.s32.f32 v45  }
0x5e: {  	v49 =	vand.u32 $0x1, v48;
	v54 =	vshrl.u32 v21, v15;
	[tilespmem:s21+$0x1B0] =	vst v16;
	v16 =	vcvt.s32.f32 v51  }
0x5f: {  	v52 =	vshrl.u32 v21, v14;
	v55 =	vand.u32 $0x1, v54;
	[tilespmem:s21+$0x130] =	vst v17;
	v17 =	vcvt.s32.f32 v49  }
0x60: {  	v53 =	vand.u32 $0x1, v52;
	v58 =	vshrl.u32 v20, v1;
	[tilespmem:s21+$0x2B0] =	vst v16;
	v16 =	vcvt.s32.f32 v55  }
0x61: {  	v56 =	vshrl.u32 v20, v0;
	v59 =	vand.u32 $0x1, v58;
	[tilespmem:s21+$0x230] =	vst v17;
	v17 =	vcvt.s32.f32 v53  }
0x62: {  	v57 =	vand.u32 $0x1, v56;
	v62 =	vshrl.u32 v20, v3;
	[tilespmem:s21+$0x3B0] =	vst v16;
	v16 =	vcvt.s32.f32 v59  }
0x63: {  	v63 =	vld [tilespmem:s20+$0x10];
	v60 =	vshrl.u32 v20, v2;
	v24 =	vand.u32 $0x1, v62;
	[tilespmem:s21+$0x330] =	vst v17;
	v17 =	vcvt.s32.f32 v57  }
0x64: {  	v27 =	vshrl.u32 v20, v5;
	v61 =	vand.u32 $0x1, v60;
	[tilespmem:s21+$0xFFFFE0C0] =	vst v16;
	v16 =	vcvt.s32.f32 v24  }
0x65: {  	v25 =	vshrl.u32 v20, v4;
	v28 =	vand.u32 $0x1, v27;
	[tilespmem:s21+$0xFFFFE040] =	vst v17;
	v17 =	vcvt.s32.f32 v61  }
0x66: {  	v26 =	vand.u32 $0x1, v25;
	v31 =	vshrl.u32 v20, v7;
	[tilespmem:s21+$0xFFFFE1C0] =	vst v16;
	v16 =	vcvt.s32.f32 v28  }
0x67: {  	v29 =	vshrl.u32 v20, v6;
	v32 =	vand.u32 $0x1, v31;
	[tilespmem:s21+$0xFFFFE140] =	vst v17;
	v17 =	vcvt.s32.f32 v26  }
0x68: {  	v30 =	vand.u32 $0x1, v29;
	v35 =	vshrl.u32 v20, v9;
	[tilespmem:s21+$0xFFFFE2C0] =	vst v16;
	v16 =	vcvt.s32.f32 v32  }
0x69: {  	v36 =	vand.u32 $0x1, v35;
	v33 =	vshrl.u32 v20, v8;
	[tilespmem:s21+$0xFFFFE240] =	vst v17;
	v17 =	vcvt.s32.f32 v30  }
0x6a: {  	v39 =	vshrl.u32 v20, v11;
	v34 =	vand.u32 $0x1, v33;
	[tilespmem:s21+$0xFFFFE3C0] =	vst v16;
	v16 =	vcvt.s32.f32 v36  }
0x6b: {  	v40 =	vand.u32 $0x1, v39;
	v21 =	vld.idx.msk [tilespmem:v63+s9+$0x0], $0xffff;
	v37 =	vshrl.u32 v20, v10;
	[tilespmem:s21+$0xFFFFE340] =	vst v17;
	v17 =	vcvt.s32.f32 v34  }
0x6c: {  	v43 =	vshrl.u32 v20, v13;
	v38 =	vand.u32 $0x1, v37;
	[tilespmem:s21+$0xC0] =	vst v16;
	v16 =	vcvt.s32.f32 v40  }
0x6d: {  	v44 =	vand.u32 $0x1, v43;
	v41 =	vshrl.u32 v20, v12;
	[tilespmem:s21+$0x40] =	vst v17;
	v17 =	vcvt.s32.f32 v38  }
0x6e: {  	v47 =	vshrl.u32 v20, v15;
	v42 =	vand.u32 $0x1, v41;
	[tilespmem:s21+$0x1C0] =	vst v16;
	v16 =	vcvt.s32.f32 v44  }
0x6f: {  	v48 =	vand.u32 $0x1, v47;
	v45 =	vshrl.u32 v20, v14;
	[tilespmem:s21+$0x140] =	vst v17;
	v17 =	vcvt.s32.f32 v42  }
0x70: {  	v51 =	vshrl.u32 v21, v1;
	v46 =	vand.u32 $0x1, v45;
	[tilespmem:s21+$0x2C0] =	vst v16;
	v16 =	vcvt.s32.f32 v48  }
0x71: {  	v52 =	vand.u32 $0x1, v51;
	v49 =	vshrl.u32 v21, v0;
	[tilespmem:s21+$0x240] =	vst v17;
	v17 =	vcvt.s32.f32 v46  }
0x72: {  	v55 =	vshrl.u32 v21, v3;
	v50 =	vand.u32 $0x1, v49;
	[tilespmem:s21+$0x3C0] =	vst v16;
	v16 =	vcvt.s32.f32 v52  }
0x73: {  	v56 =	vld [tilespmem:s20+$0x20];
	v53 =	vshrl.u32 v21, v2;
	v57 =	vand.u32 $0x1, v55;
	[tilespmem:s21+$0x340] =	vst v17;
	v17 =	vcvt.s32.f32 v50  }
0x74: {  	v60 =	vshrl.u32 v21, v5;
	v54 =	vand.u32 $0x1, v53;
	[tilespmem:s21+$0xFFFFE0D0] =	vst v16;
	v16 =	vcvt.s32.f32 v57  }
0x75: {  	v58 =	vshrl.u32 v21, v4;
	v61 =	vand.u32 $0x1, v60;
	[tilespmem:s21+$0xFFFFE050] =	vst v17;
	v17 =	vcvt.s32.f32 v54  }
0x76: {  	v22 =	vshrl.u32 v21, v7;
	v59 =	vand.u32 $0x1, v58;
	[tilespmem:s21+$0xFFFFE1D0] =	vst v16;
	v16 =	vcvt.s32.f32 v61  }
0x77: {  	v62 =	vshrl.u32 v21, v6;
	v23 =	vand.u32 $0x1, v22;
	[tilespmem:s21+$0xFFFFE150] =	vst v17;
	v17 =	vcvt.s32.f32 v59  }
0x78: {  	v63 =	vand.u32 $0x1, v62;
	v26 =	vshrl.u32 v21, v9;
	[tilespmem:s21+$0xFFFFE2D0] =	vst v16;
	v16 =	vcvt.s32.f32 v23  }
0x79: {  	v24 =	vshrl.u32 v21, v8;
	v27 =	vand.u32 $0x1, v26;
	[tilespmem:s21+$0xFFFFE250] =	vst v17;
	v17 =	vcvt.s32.f32 v63  }
0x7a: {  	v25 =	vand.u32 $0x1, v24;
	v30 =	vshrl.u32 v21, v11;
	[tilespmem:s21+$0xFFFFE3D0] =	vst v16;
	v16 =	vcvt.s32.f32 v27  }
0x7b: {  	v28 =	vshrl.u32 v21, v10;
	v20 =	vld.idx.msk [tilespmem:v56+s9+$0x0], $0xffff;
	v31 =	vand.u32 $0x1, v30;
	[tilespmem:s21+$0xFFFFE350] =	vst v17;
	v17 =	vcvt.s32.f32 v25  }
0x7c: {  	v29 =	vand.u32 $0x1, v28;
	v34 =	vshrl.u32 v21, v13;
	[tilespmem:s21+$0xD0] =	vst v16;
	v16 =	vcvt.s32.f32 v31  }
0x7d: {  	v32 =	vshrl.u32 v21, v12;
	v35 =	vand.u32 $0x1, v34;
	[tilespmem:s21+$0x50] =	vst v17;
	v17 =	vcvt.s32.f32 v29  }
0x7e: {  	v33 =	vand.u32 $0x1, v32;
	v38 =	vshrl.u32 v21, v15;
	[tilespmem:s21+$0x1D0] =	vst v16;
	v16 =	vcvt.s32.f32 v35  }
0x7f: {  	v36 =	vshrl.u32 v21, v14;
	v39 =	vand.u32 $0x1, v38;
	[tilespmem:s21+$0x150] =	vst v17;
	v17 =	vcvt.s32.f32 v33  }
0x80: {  	v37 =	vand.u32 $0x1, v36;
	v42 =	vshrl.u32 v20, v1;
	[tilespmem:s21+$0x2D0] =	vst v16;
	v16 =	vcvt.s32.f32 v39  }
0x81: {  	v40 =	vshrl.u32 v20, v0;
	v43 =	vand.u32 $0x1, v42;
	[tilespmem:s21+$0x250] =	vst v17;
	v17 =	vcvt.s32.f32 v37  }
0x82: {  	v41 =	vand.u32 $0x1, v40;
	v46 =	vshrl.u32 v20, v3;
	[tilespmem:s21+$0x3D0] =	vst v16;
	v16 =	vcvt.s32.f32 v43  }
0x83: {  	v47 =	vld [tilespmem:s20+$0x30];
	v44 =	vshrl.u32 v20, v2;
	v48 =	vand.u32 $0x1, v46;
	[tilespmem:s21+$0x350] =	vst v17;
	v17 =	vcvt.s32.f32 v41  }
0x84: {  	v51 =	vshrl.u32 v20, v5;
	v45 =	vand.u32 $0x1, v44;
	[tilespmem:s21+$0xFFFFE0E0] =	vst v16;
	v16 =	vcvt.s32.f32 v48  }
0x85: {  	v49 =	vshrl.u32 v20, v4;
	v52 =	vand.u32 $0x1, v51;
	[tilespmem:s21+$0xFFFFE060] =	vst v17;
	v17 =	vcvt.s32.f32 v45  }
0x86: {  	v55 =	vshrl.u32 v20, v7;
	v50 =	vand.u32 $0x1, v49;
	[tilespmem:s21+$0xFFFFE1E0] =	vst v16;
	v16 =	vcvt.s32.f32 v52  }
0x87: {  	v53 =	vshrl.u32 v20, v6;
	v56 =	vand.u32 $0x1, v55;
	[tilespmem:s21+$0xFFFFE160] =	vst v17;
	v17 =	vcvt.s32.f32 v50  }
0x88: {  	v54 =	vand.u32 $0x1, v53;
	v59 =	vshrl.u32 v20, v9;
	[tilespmem:s21+$0xFFFFE2E0] =	vst v16;
	v16 =	vcvt.s32.f32 v56  }
0x89: {  	v57 =	vshrl.u32 v20, v8;
	v60 =	vand.u32 $0x1, v59;
	[tilespmem:s21+$0xFFFFE260] =	vst v17;
	v17 =	vcvt.s32.f32 v54  }
0x8a: {  	v58 =	vand.u32 $0x1, v57;
	v63 =	vshrl.u32 v20, v11;
	[tilespmem:s21+$0xFFFFE3E0] =	vst v16;
	v16 =	vcvt.s32.f32 v60  }
0x8b: {  	v61 =	vshrl.u32 v20, v10;
	v21 =	vld.idx.msk [tilespmem:v47+s9+$0x0], $0xffff;
	v23 =	vand.u32 $0x1, v63;
	[tilespmem:s21+$0xFFFFE360] =	vst v17;
	v17 =	vcvt.s32.f32 v58  }
0x8c: {  	v26 =	vshrl.u32 v20, v13;
	v62 =	vand.u32 $0x1, v61;
	[tilespmem:s21+$0xE0] =	vst v16;
	v16 =	vcvt.s32.f32 v23  }
0x8d: {  	v24 =	vshrl.u32 v20, v12;
	v27 =	vand.u32 $0x1, v26;
	[tilespmem:s21+$0x60] =	vst v17;
	v17 =	vcvt.s32.f32 v62  }
0x8e: {  	v30 =	vshrl.u32 v20, v15;
	v25 =	vand.u32 $0x1, v24;
	[tilespmem:s21+$0x1E0] =	vst v16;
	v16 =	vcvt.s32.f32 v27  }
0x8f: {  	v28 =	vshrl.u32 v20, v14;
	v31 =	vand.u32 $0x1, v30;
	[tilespmem:s21+$0x160] =	vst v17;
	v17 =	vcvt.s32.f32 v25  }
0x90: {  	v34 =	vshrl.u32 v21, v1;
	v29 =	vand.u32 $0x1, v28;
	[tilespmem:s21+$0x2E0] =	vst v16;
	v16 =	vcvt.s32.f32 v31  }
0x91: {  	v32 =	vshrl.u32 v21, v0;
	v35 =	vand.u32 $0x1, v34;
	[tilespmem:s21+$0x260] =	vst v17;
	v17 =	vcvt.s32.f32 v29  }
0x92: {  	v38 =	vshrl.u32 v21, v3;
	v33 =	vand.u32 $0x1, v32;
	[tilespmem:s21+$0x3E0] =	vst v16;
	v16 =	vcvt.s32.f32 v35  }
0x93: {  	v36 =	vshrl.u32 v21, v2;
	v39 =	vand.u32 $0x1, v38;
	[tilespmem:s21+$0x360] =	vst v17;
	v17 =	vcvt.s32.f32 v33  }
0x94: {  	v42 =	vshrl.u32 v21, v5;
	v37 =	vand.u32 $0x1, v36;
	[tilespmem:s21+$0xFFFFE0F0] =	vst v16;
	v16 =	vcvt.s32.f32 v39  }
0x95: {  	v40 =	vshrl.u32 v21, v4;
	v43 =	vand.u32 $0x1, v42;
	[tilespmem:s21+$0xFFFFE070] =	vst v17;
	v17 =	vcvt.s32.f32 v37  }
0x96: {  	v46 =	vshrl.u32 v21, v7;
	v41 =	vand.u32 $0x1, v40;
	[tilespmem:s21+$0xFFFFE1F0] =	vst v16;
	v16 =	vcvt.s32.f32 v43  }
0x97: {  	v44 =	vshrl.u32 v21, v6;
	v47 =	vand.u32 $0x1, v46;
	[tilespmem:s21+$0xFFFFE170] =	vst v17;
	v17 =	vcvt.s32.f32 v41  }
0x98: {  	v45 =	vand.u32 $0x1, v44;
	v50 =	vshrl.u32 v21, v9;
	[tilespmem:s21+$0xFFFFE2F0] =	vst v16;
	v16 =	vcvt.s32.f32 v47  }
0x99: {  	v48 =	vshrl.u32 v21, v8;
	v51 =	vand.u32 $0x1, v50;
	[tilespmem:s21+$0xFFFFE270] =	vst v17;
	v17 =	vcvt.s32.f32 v45  }
0x9a: {  	v49 =	vand.u32 $0x1, v48;
	v54 =	vshrl.u32 v21, v11;
	[tilespmem:s21+$0xFFFFE3F0] =	vst v16;
	v16 =	vcvt.s32.f32 v51  }
0x9b: {  	v52 =	vshrl.u32 v21, v10;
	v55 =	vand.u32 $0x1, v54;
	[tilespmem:s21+$0xFFFFE370] =	vst v17;
	v17 =	vcvt.s32.f32 v49  }
0x9c: {  	v53 =	vand.u32 $0x1, v52;
	v58 =	vshrl.u32 v21, v13;
	[tilespmem:s21+$0xF0] =	vst v16;
	v16 =	vcvt.s32.f32 v55  }
0x9d: {  	s19 =	sadd.s32 $0x8, s19;
	v56 =	vshrl.u32 v21, v12;
	v59 =	vand.u32 $0x1, v58;
	[tilespmem:s21+$0x70] =	vst v17;
	v17 =	vcvt.s32.f32 v53  }
0x9e: {  	p0 =	slt.u32 s19, $0x18;
	v57 =	vand.u32 $0x1, v56;
	v62 =	vshrl.u32 v21, v15;
	[tilespmem:s21+$0x1F0] =	vst v16;
	v16 =	vcvt.s32.f32 v59  }
.Ltmp0:
0x9f: {  	v60 =	vshrl.u32 v21, v14;
	v63 =	vand.u32 $0x1, v62;
	[tilespmem:s21+$0x170] =	vst v17;
	v17 =	vcvt.s32.f32 v57;
	(pc) =	sbr.rel @p0 .LBB2_2-.Ltmp0, $4  }
0xa0: {  	v61 =	vand.u32 $0x1, v60;
	[tilespmem:s21+$0x2F0] =	vst v16;
	v16 =	vcvt.s32.f32 v63  }
0xa1: {  	[tilespmem:s21+$0x270] =	vst v17;
	v17 =	vcvt.s32.f32 v61  }
0xa2: {  	[tilespmem:s21+$0x3F0] =	vst v16  }
0xa3: {  	s20 =	sadd.s32 $0x80, s20;
	[tilespmem:s21+$0x370] =	vst v17;
	s21 =	sadd.s32 $0x400, s21  }
0xa4: {  	[hbm4b:s5+s3] =	stream.linear.scatter [tilespmem:s11], [sflag:$0x1], $0x1000, $0x38;
	[tilespmem:$0x4800] =	vst v63  }
0xa5: {  	s19 =	simm.s32 $0x18;
	s20 =	simm.s32 $0x3800;
	s21 =	simm.s32 $0x270  }
0xa6: {  	[hbm4b:s12+s3] =	stream.linear.scatter [tilespmem:s13], [sflag:$0x1], $0x1000, $0x38;
	[tilespmem:$0x4800] =	vst v63  }
.LBB2_4:
0xa7: {  	v16 =	vld [tilespmem:s21+$0xFFFFFF90];
	_ =	sdelay $0x7  }
0xa8: {  	v16 =	vld.idx.msk [tilespmem:v16+s9+$0x0], $0xffff;
	_ =	sdelay $0x4  }
0xa9: {  	v17 =	vshrl.u32 v16, v0  }
0xaa: {  	v18 =	vshrl.u32 v16, v1;
	v19 =	vshrl.u32 v16, v2;
	v17 =	vand.u32 $0x1, v17  }
0xab: {  	v20 =	vshrl.u32 v16, v3;
	v18 =	vand.u32 $0x1, v18;
	v17 =	vcvt.s32.f32 v17  }
0xac: {  	v21 =	vld [tilespmem:s21+$0xFFFFFFA0];
	v52 =	vshrl.u32 v16, v4;
	v51 =	vand.u32 $0x1, v20;
	v18 =	vcvt.s32.f32 v18  }
0xad: {  	v55 =	vshrl.u32 v16, v5;
	v19 =	vand.u32 $0x1, v19;
	v53 =	vcvt.s32.f32 v51;
	[tilespmem:s20+$0xFFFFE000] =	vst v17  }
0xae: {  	v57 =	vshrl.u32 v16, v6;
	v56 =	vand.u32 $0x1, v55;
	v17 =	vcvt.s32.f32 v19;
	[tilespmem:s20+$0xFFFFE080] =	vst v18  }
0xaf: {  	v60 =	vshrl.u32 v16, v7;
	v54 =	vand.u32 $0x1, v52;
	v58 =	vcvt.s32.f32 v56;
	[tilespmem:s20+$0xFFFFE180] =	vst v53  }
0xb0: {  	v62 =	vshrl.u32 v16, v8;
	v61 =	vand.u32 $0x1, v60;
	[tilespmem:s20+$0xFFFFE100] =	vst v17;
	v17 =	vcvt.s32.f32 v54  }
0xb1: {  	v25 =	vshrl.u32 v16, v9;
	v59 =	vand.u32 $0x1, v57;
	v63 =	vcvt.s32.f32 v61;
	[tilespmem:s20+$0xFFFFE280] =	vst v58  }
0xb2: {  	v27 =	vshrl.u32 v16, v10;
	v26 =	vand.u32 $0x1, v25;
	[tilespmem:s20+$0xFFFFE200] =	vst v17;
	v17 =	vcvt.s32.f32 v59  }
0xb3: {  	v30 =	vshrl.u32 v16, v11;
	v24 =	vand.u32 $0x1, v62;
	v28 =	vcvt.s32.f32 v26;
	[tilespmem:s20+$0xFFFFE380] =	vst v63  }
0xb4: {  	v21 =	vld.idx.msk [tilespmem:v21+s9+$0x0], $0xffff;
	v32 =	vshrl.u32 v16, v12;
	v31 =	vand.u32 $0x1, v30;
	[tilespmem:s20+$0xFFFFE300] =	vst v17;
	v17 =	vcvt.s32.f32 v24  }
0xb5: {  	v35 =	vshrl.u32 v16, v13;
	v29 =	vand.u32 $0x1, v27;
	v33 =	vcvt.s32.f32 v31;
	[tilespmem:s20+$0x80] =	vst v28  }
0xb6: {  	v37 =	vshrl.u32 v16, v14;
	v36 =	vand.u32 $0x1, v35;
	[tilespmem:s20+$0x0] =	vst v17;
	v17 =	vcvt.s32.f32 v29  }
0xb7: {  	v16 =	vshrl.u32 v16, v15;
	v34 =	vand.u32 $0x1, v32;
	v38 =	vcvt.s32.f32 v36;
	[tilespmem:s20+$0x180] =	vst v33  }
0xb8: {  	v16 =	vand.u32 $0x1, v16;
	[tilespmem:s20+$0x100] =	vst v17;
	v17 =	vcvt.s32.f32 v34  }
0xb9: {  	v42 =	vshrl.u32 v21, v1;
	v39 =	vand.u32 $0x1, v37;
	v16 =	vcvt.s32.f32 v16;
	[tilespmem:s20+$0x280] =	vst v38  }
0xba: {  	v40 =	vshrl.u32 v21, v0;
	v43 =	vand.u32 $0x1, v42;
	[tilespmem:s20+$0x200] =	vst v17;
	v17 =	vcvt.s32.f32 v39  }
0xbb: {  	v46 =	vshrl.u32 v21, v3;
	v41 =	vand.u32 $0x1, v40;
	[tilespmem:s20+$0x380] =	vst v16;
	v16 =	vcvt.s32.f32 v43  }
0xbc: {  	v47 =	vld [tilespmem:s21+$0xFFFFFFB0];
	v44 =	vshrl.u32 v21, v2;
	v48 =	vand.u32 $0x1, v46;
	[tilespmem:s20+$0x300] =	vst v17;
	v17 =	vcvt.s32.f32 v41  }
0xbd: {  	v45 =	vand.u32 $0x1, v44;
	v51 =	vshrl.u32 v21, v5;
	[tilespmem:s20+$0xFFFFE090] =	vst v16;
	v16 =	vcvt.s32.f32 v48  }
0xbe: {  	v49 =	vshrl.u32 v21, v4;
	v52 =	vand.u32 $0x1, v51;
	[tilespmem:s20+$0xFFFFE010] =	vst v17;
	v17 =	vcvt.s32.f32 v45  }
0xbf: {  	v50 =	vand.u32 $0x1, v49;
	v55 =	vshrl.u32 v21, v7;
	[tilespmem:s20+$0xFFFFE190] =	vst v16;
	v16 =	vcvt.s32.f32 v52  }
0xc0: {  	v56 =	vand.u32 $0x1, v55;
	v53 =	vshrl.u32 v21, v6;
	[tilespmem:s20+$0xFFFFE110] =	vst v17;
	v17 =	vcvt.s32.f32 v50  }
0xc1: {  	v54 =	vand.u32 $0x1, v53;
	v59 =	vshrl.u32 v21, v9;
	[tilespmem:s20+$0xFFFFE290] =	vst v16;
	v16 =	vcvt.s32.f32 v56  }
0xc2: {  	v57 =	vshrl.u32 v21, v8;
	v60 =	vand.u32 $0x1, v59;
	[tilespmem:s20+$0xFFFFE210] =	vst v17;
	v17 =	vcvt.s32.f32 v54  }
0xc3: {  	v58 =	vand.u32 $0x1, v57;
	v63 =	vshrl.u32 v21, v11;
	[tilespmem:s20+$0xFFFFE390] =	vst v16;
	v16 =	vcvt.s32.f32 v60  }
0xc4: {  	v20 =	vld.idx.msk [tilespmem:v47+s9+$0x0], $0xffff;
	v61 =	vshrl.u32 v21, v10;
	v23 =	vand.u32 $0x1, v63;
	[tilespmem:s20+$0xFFFFE310] =	vst v17;
	v17 =	vcvt.s32.f32 v58  }
0xc5: {  	v26 =	vshrl.u32 v21, v13;
	v62 =	vand.u32 $0x1, v61;
	[tilespmem:s20+$0x90] =	vst v16;
	v16 =	vcvt.s32.f32 v23  }
0xc6: {  	v27 =	vand.u32 $0x1, v26;
	v24 =	vshrl.u32 v21, v12;
	[tilespmem:s20+$0x10] =	vst v17;
	v17 =	vcvt.s32.f32 v62  }
0xc7: {  	v30 =	vshrl.u32 v21, v15;
	v25 =	vand.u32 $0x1, v24;
	[tilespmem:s20+$0x190] =	vst v16;
	v16 =	vcvt.s32.f32 v27  }
0xc8: {  	v31 =	vand.u32 $0x1, v30;
	v28 =	vshrl.u32 v21, v14;
	[tilespmem:s20+$0x110] =	vst v17;
	v17 =	vcvt.s32.f32 v25  }
0xc9: {  	v29 =	vand.u32 $0x1, v28;
	v34 =	vshrl.u32 v20, v1;
	[tilespmem:s20+$0x290] =	vst v16;
	v16 =	vcvt.s32.f32 v31  }
0xca: {  	v32 =	vshrl.u32 v20, v0;
	v35 =	vand.u32 $0x1, v34;
	[tilespmem:s20+$0x210] =	vst v17;
	v17 =	vcvt.s32.f32 v29  }
0xcb: {  	v38 =	vshrl.u32 v20, v3;
	v33 =	vand.u32 $0x1, v32;
	[tilespmem:s20+$0x390] =	vst v16;
	v16 =	vcvt.s32.f32 v35  }
0xcc: {  	v36 =	vshrl.u32 v20, v2;
	v40 =	vand.u32 $0x1, v38;
	v39 =	vld [tilespmem:s21+$0xFFFFFFC0];
	[tilespmem:s20+$0x310] =	vst v17;
	v17 =	vcvt.s32.f32 v33  }
0xcd: {  	v43 =	vshrl.u32 v20, v5;
	v37 =	vand.u32 $0x1, v36;
	[tilespmem:s20+$0xFFFFE0A0] =	vst v16;
	v16 =	vcvt.s32.f32 v40  }
0xce: {  	v44 =	vand.u32 $0x1, v43;
	v41 =	vshrl.u32 v20, v4;
	[tilespmem:s20+$0xFFFFE020] =	vst v17;
	v17 =	vcvt.s32.f32 v37  }
0xcf: {  	v47 =	vshrl.u32 v20, v7;
	v42 =	vand.u32 $0x1, v41;
	[tilespmem:s20+$0xFFFFE1A0] =	vst v16;
	v16 =	vcvt.s32.f32 v44  }
0xd0: {  	v48 =	vand.u32 $0x1, v47;
	v45 =	vshrl.u32 v20, v6;
	[tilespmem:s20+$0xFFFFE120] =	vst v17;
	v17 =	vcvt.s32.f32 v42  }
0xd1: {  	v51 =	vshrl.u32 v20, v9;
	v46 =	vand.u32 $0x1, v45;
	[tilespmem:s20+$0xFFFFE2A0] =	vst v16;
	v16 =	vcvt.s32.f32 v48  }
0xd2: {  	v49 =	vshrl.u32 v20, v8;
	v52 =	vand.u32 $0x1, v51;
	[tilespmem:s20+$0xFFFFE220] =	vst v17;
	v17 =	vcvt.s32.f32 v46  }
0xd3: {  	v55 =	vshrl.u32 v20, v11;
	v50 =	vand.u32 $0x1, v49;
	[tilespmem:s20+$0xFFFFE3A0] =	vst v16;
	v16 =	vcvt.s32.f32 v52  }
0xd4: {  	v53 =	vshrl.u32 v20, v10;
	v56 =	vand.u32 $0x1, v55;
	v21 =	vld.idx.msk [tilespmem:v39+s9+$0x0], $0xffff;
	[tilespmem:s20+$0xFFFFE320] =	vst v17;
	v17 =	vcvt.s32.f32 v50  }
0xd5: {  	v59 =	vshrl.u32 v20, v13;
	v54 =	vand.u32 $0x1, v53;
	[tilespmem:s20+$0xA0] =	vst v16;
	v16 =	vcvt.s32.f32 v56  }
0xd6: {  	v57 =	vshrl.u32 v20, v12;
	v60 =	vand.u32 $0x1, v59;
	[tilespmem:s20+$0x20] =	vst v17;
	v17 =	vcvt.s32.f32 v54  }
0xd7: {  	v63 =	vshrl.u32 v20, v15;
	v58 =	vand.u32 $0x1, v57;
	[tilespmem:s20+$0x1A0] =	vst v16;
	v16 =	vcvt.s32.f32 v60  }
0xd8: {  	v61 =	vshrl.u32 v20, v14;
	v22 =	vand.u32 $0x1, v63;
	[tilespmem:s20+$0x120] =	vst v17;
	v17 =	vcvt.s32.f32 v58  }
0xd9: {  	v62 =	vand.u32 $0x1, v61;
	v25 =	vshrl.u32 v21, v1;
	[tilespmem:s20+$0x2A0] =	vst v16;
	v16 =	vcvt.s32.f32 v22  }
0xda: {  	v23 =	vshrl.u32 v21, v0;
	v26 =	vand.u32 $0x1, v25;
	[tilespmem:s20+$0x220] =	vst v17;
	v17 =	vcvt.s32.f32 v62  }
0xdb: {  	v24 =	vand.u32 $0x1, v23;
	v29 =	vshrl.u32 v21, v3;
	[tilespmem:s20+$0x3A0] =	vst v16;
	v16 =	vcvt.s32.f32 v26  }
0xdc: {  	v30 =	vld [tilespmem:s21+$0xFFFFFFD0];
	v27 =	vshrl.u32 v21, v2;
	v31 =	vand.u32 $0x1, v29;
	[tilespmem:s20+$0x320] =	vst v17;
	v17 =	vcvt.s32.f32 v24  }
0xdd: {  	v34 =	vshrl.u32 v21, v5;
	v28 =	vand.u32 $0x1, v27;
	[tilespmem:s20+$0xFFFFE0B0] =	vst v16;
	v16 =	vcvt.s32.f32 v31  }
0xde: {  	v32 =	vshrl.u32 v21, v4;
	v35 =	vand.u32 $0x1, v34;
	[tilespmem:s20+$0xFFFFE030] =	vst v17;
	v17 =	vcvt.s32.f32 v28  }
0xdf: {  	v38 =	vshrl.u32 v21, v7;
	v33 =	vand.u32 $0x1, v32;
	[tilespmem:s20+$0xFFFFE1B0] =	vst v16;
	v16 =	vcvt.s32.f32 v35  }
0xe0: {  	v36 =	vshrl.u32 v21, v6;
	v39 =	vand.u32 $0x1, v38;
	[tilespmem:s20+$0xFFFFE130] =	vst v17;
	v17 =	vcvt.s32.f32 v33  }
0xe1: {  	v37 =	vand.u32 $0x1, v36;
	v42 =	vshrl.u32 v21, v9;
	[tilespmem:s20+$0xFFFFE2B0] =	vst v16;
	v16 =	vcvt.s32.f32 v39  }
0xe2: {  	v40 =	vshrl.u32 v21, v8;
	v43 =	vand.u32 $0x1, v42;
	[tilespmem:s20+$0xFFFFE230] =	vst v17;
	v17 =	vcvt.s32.f32 v37  }
0xe3: {  	v41 =	vand.u32 $0x1, v40;
	v46 =	vshrl.u32 v21, v11;
	[tilespmem:s20+$0xFFFFE3B0] =	vst v16;
	v16 =	vcvt.s32.f32 v43  }
0xe4: {  	v20 =	vld.idx.msk [tilespmem:v30+s9+$0x0], $0xffff;
	v44 =	vshrl.u32 v21, v10;
	v47 =	vand.u32 $0x1, v46;
	[tilespmem:s20+$0xFFFFE330] =	vst v17;
	v17 =	vcvt.s32.f32 v41  }
0xe5: {  	v45 =	vand.u32 $0x1, v44;
	v50 =	vshrl.u32 v21, v13;
	[tilespmem:s20+$0xB0] =	vst v16;
	v16 =	vcvt.s32.f32 v47  }
0xe6: {  	v48 =	vshrl.u32 v21, v12;
	v51 =	vand.u32 $0x1, v50;
	[tilespmem:s20+$0x30] =	vst v17;
	v17 =	vcvt.s32.f32 v45  }
0xe7: {  	v49 =	vand.u32 $0x1, v48;
	v54 =	vshrl.u32 v21, v15;
	[tilespmem:s20+$0x1B0] =	vst v16;
	v16 =	vcvt.s32.f32 v51  }
0xe8: {  	v52 =	vshrl.u32 v21, v14;
	v55 =	vand.u32 $0x1, v54;
	[tilespmem:s20+$0x130] =	vst v17;
	v17 =	vcvt.s32.f32 v49  }
0xe9: {  	v53 =	vand.u32 $0x1, v52;
	v58 =	vshrl.u32 v20, v1;
	[tilespmem:s20+$0x2B0] =	vst v16;
	v16 =	vcvt.s32.f32 v55  }
0xea: {  	v56 =	vshrl.u32 v20, v0;
	v59 =	vand.u32 $0x1, v58;
	[tilespmem:s20+$0x230] =	vst v17;
	v17 =	vcvt.s32.f32 v53  }
0xeb: {  	v57 =	vand.u32 $0x1, v56;
	v62 =	vshrl.u32 v20, v3;
	[tilespmem:s20+$0x3B0] =	vst v16;
	v16 =	vcvt.s32.f32 v59  }
0xec: {  	v63 =	vld [tilespmem:s21+$0xFFFFFFE0];
	v60 =	vshrl.u32 v20, v2;
	v24 =	vand.u32 $0x1, v62;
	[tilespmem:s20+$0x330] =	vst v17;
	v17 =	vcvt.s32.f32 v57  }
0xed: {  	v27 =	vshrl.u32 v20, v5;
	v61 =	vand.u32 $0x1, v60;
	[tilespmem:s20+$0xFFFFE0C0] =	vst v16;
	v16 =	vcvt.s32.f32 v24  }
0xee: {  	v25 =	vshrl.u32 v20, v4;
	v28 =	vand.u32 $0x1, v27;
	[tilespmem:s20+$0xFFFFE040] =	vst v17;
	v17 =	vcvt.s32.f32 v61  }
0xef: {  	v26 =	vand.u32 $0x1, v25;
	v31 =	vshrl.u32 v20, v7;
	[tilespmem:s20+$0xFFFFE1C0] =	vst v16;
	v16 =	vcvt.s32.f32 v28  }
0xf0: {  	v29 =	vshrl.u32 v20, v6;
	v32 =	vand.u32 $0x1, v31;
	[tilespmem:s20+$0xFFFFE140] =	vst v17;
	v17 =	vcvt.s32.f32 v26  }
0xf1: {  	v30 =	vand.u32 $0x1, v29;
	v35 =	vshrl.u32 v20, v9;
	[tilespmem:s20+$0xFFFFE2C0] =	vst v16;
	v16 =	vcvt.s32.f32 v32  }
0xf2: {  	v36 =	vand.u32 $0x1, v35;
	v33 =	vshrl.u32 v20, v8;
	[tilespmem:s20+$0xFFFFE240] =	vst v17;
	v17 =	vcvt.s32.f32 v30  }
0xf3: {  	v39 =	vshrl.u32 v20, v11;
	v34 =	vand.u32 $0x1, v33;
	[tilespmem:s20+$0xFFFFE3C0] =	vst v16;
	v16 =	vcvt.s32.f32 v36  }
0xf4: {  	v40 =	vand.u32 $0x1, v39;
	v21 =	vld.idx.msk [tilespmem:v63+s9+$0x0], $0xffff;
	v37 =	vshrl.u32 v20, v10;
	[tilespmem:s20+$0xFFFFE340] =	vst v17;
	v17 =	vcvt.s32.f32 v34  }
0xf5: {  	v43 =	vshrl.u32 v20, v13;
	v38 =	vand.u32 $0x1, v37;
	[tilespmem:s20+$0xC0] =	vst v16;
	v16 =	vcvt.s32.f32 v40  }
0xf6: {  	v44 =	vand.u32 $0x1, v43;
	v41 =	vshrl.u32 v20, v12;
	[tilespmem:s20+$0x40] =	vst v17;
	v17 =	vcvt.s32.f32 v38  }
0xf7: {  	v47 =	vshrl.u32 v20, v15;
	v42 =	vand.u32 $0x1, v41;
	[tilespmem:s20+$0x1C0] =	vst v16;
	v16 =	vcvt.s32.f32 v44  }
0xf8: {  	v48 =	vand.u32 $0x1, v47;
	v45 =	vshrl.u32 v20, v14;
	[tilespmem:s20+$0x140] =	vst v17;
	v17 =	vcvt.s32.f32 v42  }
0xf9: {  	v51 =	vshrl.u32 v21, v1;
	v46 =	vand.u32 $0x1, v45;
	[tilespmem:s20+$0x2C0] =	vst v16;
	v16 =	vcvt.s32.f32 v48  }
0xfa: {  	v52 =	vand.u32 $0x1, v51;
	v49 =	vshrl.u32 v21, v0;
	[tilespmem:s20+$0x240] =	vst v17;
	v17 =	vcvt.s32.f32 v46  }
0xfb: {  	v55 =	vshrl.u32 v21, v3;
	v50 =	vand.u32 $0x1, v49;
	[tilespmem:s20+$0x3C0] =	vst v16;
	v16 =	vcvt.s32.f32 v52  }
0xfc: {  	v56 =	vld [tilespmem:s21+$0xFFFFFFF0];
	v53 =	vshrl.u32 v21, v2;
	v57 =	vand.u32 $0x1, v55;
	[tilespmem:s20+$0x340] =	vst v17;
	v17 =	vcvt.s32.f32 v50  }
0xfd: {  	v60 =	vshrl.u32 v21, v5;
	v54 =	vand.u32 $0x1, v53;
	[tilespmem:s20+$0xFFFFE0D0] =	vst v16;
	v16 =	vcvt.s32.f32 v57  }
0xfe: {  	v58 =	vshrl.u32 v21, v4;
	v61 =	vand.u32 $0x1, v60;
	[tilespmem:s20+$0xFFFFE050] =	vst v17;
	v17 =	vcvt.s32.f32 v54  }
0xff: {  	v22 =	vshrl.u32 v21, v7;
	v59 =	vand.u32 $0x1, v58;
	[tilespmem:s20+$0xFFFFE1D0] =	vst v16;
	v16 =	vcvt.s32.f32 v61  }
0x100: {  	v62 =	vshrl.u32 v21, v6;
	v23 =	vand.u32 $0x1, v22;
	[tilespmem:s20+$0xFFFFE150] =	vst v17;
	v17 =	vcvt.s32.f32 v59  }
0x101: {  	v63 =	vand.u32 $0x1, v62;
	v26 =	vshrl.u32 v21, v9;
	[tilespmem:s20+$0xFFFFE2D0] =	vst v16;
	v16 =	vcvt.s32.f32 v23  }
0x102: {  	v24 =	vshrl.u32 v21, v8;
	v27 =	vand.u32 $0x1, v26;
	[tilespmem:s20+$0xFFFFE250] =	vst v17;
	v17 =	vcvt.s32.f32 v63  }
0x103: {  	v25 =	vand.u32 $0x1, v24;
	v30 =	vshrl.u32 v21, v11;
	[tilespmem:s20+$0xFFFFE3D0] =	vst v16;
	v16 =	vcvt.s32.f32 v27  }
0x104: {  	v28 =	vshrl.u32 v21, v10;
	v20 =	vld.idx.msk [tilespmem:v56+s9+$0x0], $0xffff;
	v31 =	vand.u32 $0x1, v30;
	[tilespmem:s20+$0xFFFFE350] =	vst v17;
	v17 =	vcvt.s32.f32 v25  }
0x105: {  	v29 =	vand.u32 $0x1, v28;
	v34 =	vshrl.u32 v21, v13;
	[tilespmem:s20+$0xD0] =	vst v16;
	v16 =	vcvt.s32.f32 v31  }
0x106: {  	v32 =	vshrl.u32 v21, v12;
	v35 =	vand.u32 $0x1, v34;
	[tilespmem:s20+$0x50] =	vst v17;
	v17 =	vcvt.s32.f32 v29  }
0x107: {  	v33 =	vand.u32 $0x1, v32;
	v38 =	vshrl.u32 v21, v15;
	[tilespmem:s20+$0x1D0] =	vst v16;
	v16 =	vcvt.s32.f32 v35  }
0x108: {  	v36 =	vshrl.u32 v21, v14;
	v39 =	vand.u32 $0x1, v38;
	[tilespmem:s20+$0x150] =	vst v17;
	v17 =	vcvt.s32.f32 v33  }
0x109: {  	v37 =	vand.u32 $0x1, v36;
	v42 =	vshrl.u32 v20, v1;
	[tilespmem:s20+$0x2D0] =	vst v16;
	v16 =	vcvt.s32.f32 v39  }
0x10a: {  	v40 =	vshrl.u32 v20, v0;
	v43 =	vand.u32 $0x1, v42;
	[tilespmem:s20+$0x250] =	vst v17;
	v17 =	vcvt.s32.f32 v37  }
0x10b: {  	v41 =	vand.u32 $0x1, v40;
	v46 =	vshrl.u32 v20, v3;
	[tilespmem:s20+$0x3D0] =	vst v16;
	v16 =	vcvt.s32.f32 v43  }
0x10c: {  	v47 =	vld [tilespmem:s21+$0x0];
	v44 =	vshrl.u32 v20, v2;
	v48 =	vand.u32 $0x1, v46;
	[tilespmem:s20+$0x350] =	vst v17;
	v17 =	vcvt.s32.f32 v41  }
0x10d: {  	v51 =	vshrl.u32 v20, v5;
	v45 =	vand.u32 $0x1, v44;
	[tilespmem:s20+$0xFFFFE0E0] =	vst v16;
	v16 =	vcvt.s32.f32 v48  }
0x10e: {  	v49 =	vshrl.u32 v20, v4;
	v52 =	vand.u32 $0x1, v51;
	[tilespmem:s20+$0xFFFFE060] =	vst v17;
	v17 =	vcvt.s32.f32 v45  }
0x10f: {  	v55 =	vshrl.u32 v20, v7;
	v50 =	vand.u32 $0x1, v49;
	[tilespmem:s20+$0xFFFFE1E0] =	vst v16;
	v16 =	vcvt.s32.f32 v52  }
0x110: {  	v53 =	vshrl.u32 v20, v6;
	v56 =	vand.u32 $0x1, v55;
	[tilespmem:s20+$0xFFFFE160] =	vst v17;
	v17 =	vcvt.s32.f32 v50  }
0x111: {  	v54 =	vand.u32 $0x1, v53;
	v59 =	vshrl.u32 v20, v9;
	[tilespmem:s20+$0xFFFFE2E0] =	vst v16;
	v16 =	vcvt.s32.f32 v56  }
0x112: {  	v57 =	vshrl.u32 v20, v8;
	v60 =	vand.u32 $0x1, v59;
	[tilespmem:s20+$0xFFFFE260] =	vst v17;
	v17 =	vcvt.s32.f32 v54  }
0x113: {  	v58 =	vand.u32 $0x1, v57;
	v63 =	vshrl.u32 v20, v11;
	[tilespmem:s20+$0xFFFFE3E0] =	vst v16;
	v16 =	vcvt.s32.f32 v60  }
0x114: {  	v61 =	vshrl.u32 v20, v10;
	v21 =	vld.idx.msk [tilespmem:v47+s9+$0x0], $0xffff;
	v23 =	vand.u32 $0x1, v63;
	[tilespmem:s20+$0xFFFFE360] =	vst v17;
	v17 =	vcvt.s32.f32 v58  }
0x115: {  	v26 =	vshrl.u32 v20, v13;
	v62 =	vand.u32 $0x1, v61;
	[tilespmem:s20+$0xE0] =	vst v16;
	v16 =	vcvt.s32.f32 v23  }
0x116: {  	v24 =	vshrl.u32 v20, v12;
	v27 =	vand.u32 $0x1, v26;
	[tilespmem:s20+$0x60] =	vst v17;
	v17 =	vcvt.s32.f32 v62  }
0x117: {  	v30 =	vshrl.u32 v20, v15;
	v25 =	vand.u32 $0x1, v24;
	[tilespmem:s20+$0x1E0] =	vst v16;
	v16 =	vcvt.s32.f32 v27  }
0x118: {  	v28 =	vshrl.u32 v20, v14;
	v31 =	vand.u32 $0x1, v30;
	[tilespmem:s20+$0x160] =	vst v17;
	v17 =	vcvt.s32.f32 v25  }
0x119: {  	v34 =	vshrl.u32 v21, v1;
	v29 =	vand.u32 $0x1, v28;
	[tilespmem:s20+$0x2E0] =	vst v16;
	v16 =	vcvt.s32.f32 v31  }
0x11a: {  	v32 =	vshrl.u32 v21, v0;
	v35 =	vand.u32 $0x1, v34;
	[tilespmem:s20+$0x260] =	vst v17;
	v17 =	vcvt.s32.f32 v29  }
0x11b: {  	v38 =	vshrl.u32 v21, v3;
	v33 =	vand.u32 $0x1, v32;
	[tilespmem:s20+$0x3E0] =	vst v16;
	v16 =	vcvt.s32.f32 v35  }
0x11c: {  	v36 =	vshrl.u32 v21, v2;
	v39 =	vand.u32 $0x1, v38;
	[tilespmem:s20+$0x360] =	vst v17;
	v17 =	vcvt.s32.f32 v33  }
0x11d: {  	v42 =	vshrl.u32 v21, v5;
	v37 =	vand.u32 $0x1, v36;
	[tilespmem:s20+$0xFFFFE0F0] =	vst v16;
	v16 =	vcvt.s32.f32 v39  }
0x11e: {  	v40 =	vshrl.u32 v21, v4;
	v43 =	vand.u32 $0x1, v42;
	[tilespmem:s20+$0xFFFFE070] =	vst v17;
	v17 =	vcvt.s32.f32 v37  }
0x11f: {  	v46 =	vshrl.u32 v21, v7;
	v41 =	vand.u32 $0x1, v40;
	[tilespmem:s20+$0xFFFFE1F0] =	vst v16;
	v16 =	vcvt.s32.f32 v43  }
0x120: {  	v44 =	vshrl.u32 v21, v6;
	v47 =	vand.u32 $0x1, v46;
	[tilespmem:s20+$0xFFFFE170] =	vst v17;
	v17 =	vcvt.s32.f32 v41  }
0x121: {  	v45 =	vand.u32 $0x1, v44;
	v50 =	vshrl.u32 v21, v9;
	[tilespmem:s20+$0xFFFFE2F0] =	vst v16;
	v16 =	vcvt.s32.f32 v47  }
0x122: {  	v48 =	vshrl.u32 v21, v8;
	v51 =	vand.u32 $0x1, v50;
	[tilespmem:s20+$0xFFFFE270] =	vst v17;
	v17 =	vcvt.s32.f32 v45  }
0x123: {  	v49 =	vand.u32 $0x1, v48;
	v54 =	vshrl.u32 v21, v11;
	[tilespmem:s20+$0xFFFFE3F0] =	vst v16;
	v16 =	vcvt.s32.f32 v51  }
0x124: {  	v52 =	vshrl.u32 v21, v10;
	v55 =	vand.u32 $0x1, v54;
	[tilespmem:s20+$0xFFFFE370] =	vst v17;
	v17 =	vcvt.s32.f32 v49  }
0x125: {  	v53 =	vand.u32 $0x1, v52;
	v58 =	vshrl.u32 v21, v13;
	[tilespmem:s20+$0xF0] =	vst v16;
	v16 =	vcvt.s32.f32 v55  }
0x126: {  	s19 =	sadd.s32 $0x8, s19;
	v56 =	vshrl.u32 v21, v12;
	v59 =	vand.u32 $0x1, v58;
	[tilespmem:s20+$0x70] =	vst v17;
	v17 =	vcvt.s32.f32 v53  }
0x127: {  	p0 =	slt.u32 s19, $0x38;
	v57 =	vand.u32 $0x1, v56;
	v62 =	vshrl.u32 v21, v15;
	[tilespmem:s20+$0x1F0] =	vst v16;
	v16 =	vcvt.s32.f32 v59  }
.Ltmp1:
0x128: {  	v60 =	vshrl.u32 v21, v14;
	v63 =	vand.u32 $0x1, v62;
	[tilespmem:s20+$0x170] =	vst v17;
	v17 =	vcvt.s32.f32 v57;
	(pc) =	sbr.rel @p0 .LBB2_4-.Ltmp1, $4  }
0x129: {  	v61 =	vand.u32 $0x1, v60;
	[tilespmem:s20+$0x2F0] =	vst v16;
	v16 =	vcvt.s32.f32 v63  }
0x12a: {  	[tilespmem:s20+$0x270] =	vst v17;
	v17 =	vcvt.s32.f32 v61  }
0x12b: {  	[tilespmem:s20+$0x3F0] =	vst v16  }
0x12c: {  	s21 =	sadd.s32 $0x80, s21;
	[tilespmem:s20+$0x370] =	vst v17;
	s20 =	sadd.s32 $0x400, s20  }
0x12d: {  	[hbm4b:s6+s3] =	stream.linear.scatter [tilespmem:s14], [sflag:$0x1], $0x1000, $0x38;
	[tilespmem:$0x4800] =	vst v63  }
0x12e: {  	s18 =	sadd.s32 $0x1, s18  }
0x12f: {  	[hbm4b:s15+s3] =	stream.linear.scatter [tilespmem:s16], [sflag:$0x1], $0x1000, $0x38;
	[tilespmem:$0x4800] =	vst v63  }
0x130: {  	p0 =	sne.s32 s18, s7;
	_ =	swait.ge [sflag:s17], $0x2000  }
.Ltmp2:
0x131: {  	[sflag:s17] =	ssyncset.done $0x0;
	(pc) =	sbr.rel @p0 .LBB2_1-.Ltmp2, $4  }
0x132: {  	[sflag:s17] =	ssyncadd.s32 $0xFFFFE000  }
0x133: {  	_ =	swait.ge [sflag:s17], $0x2000  }
0x134: {  	[sflag:s17] =	ssyncset.done $0x0  }
0x135: {  	[sflag:s17] =	ssyncadd.s32 $0xFFFFE000  }
0x136: {  	_ =	sfence.sel $0x180000  }
0x137: {  	[bflag:$0x0] =	sbarrier.arrive $0xFFFF  }
0x138: {  	p0 =	sne.s32 s2, $0x0;
	_ =	strace $0x90000047  }
0x139: {  	s0 =	sadd.s32 @!p0 $0x100000, s0;
	[bflag:$0x2] =	sbarrier.arrive $0xFFFF  }
0x13a: {  	[sflag:s0] =	ssyncadd.tile.s32 @!p0 $0x1;
	_ =	shalt  }
.Lfunc_end2:
_tile_overlayer_lowered:
.L_overlay_start_2:
0x13b: {  	(tag) =	ssettag $0x2  }
0x13c: {  	s0 =	rddreg [dreg:$0x0];
	s2 =	stileid.u32  }
0x13d: {  	s1 =	rddreg [dreg:$0x1];
	p0 =	sne.s32 s2, $0x0  }
0x13e: {  	s3 =	rddreg [dreg:$0x2];
	[bflag:$0x3] =	sbarrier.arrive $0xFFFF;
	s2 =	simm.s32 @!p0 $0x1C03  }
0x13f: {  	[timem:s3], [sflag:s2] =	dma.local @!p0 [hbm:s0], s1  }
0x140: {  	s0 =	simm.s32 @!p0 $0x3  }
0x141: {  	_ =	swait.ge @!p0 [sflag:s0], s1  }
0x142: {  	s1 =	ssub.s32 @!p0 $0x0, s1;
	[sflag:s0] =	ssyncset.done @!p0 $0x0  }
0x143: {  	[sflag:s0] =	ssyncadd.s32 @!p0 s1  }
0x144: {  	[bflag:$0x3] =	sbarrier.arrive $0xFFFF  }
0x145: {  	_ =	shalt  }

</sc_bundles>
